<compile_context>
chip_gen: v7x
topology: tpu7x:2x2x1
jax: 0.10.2.dev20260603
libtpu: 0.0.44.dev20260713+nightly
codegen_flags: <defaults>
</compile_context>

<pallas_src>
import jax
import jax.numpy as jnp
from jax import lax
from jax.experimental import pallas as pl
from jax.experimental.pallas import tpu as pltpu
from jax.experimental.pallas import tpu_sc as plsc

BATCH = 4096
N_FIELDS = 26
DEPTH = 1000
FIELD_W = DEPTH + 1
ROW_W = N_FIELDS * FIELD_W

NCORES = 2
NSUBCORES = 16
LANES = 16
NWORKERS = NCORES * NSUBCORES
ROWS_PER_W = BATCH // NWORKERS
CHUNK_ROWS = 2
N_CHUNKS = ROWS_PER_W // CHUNK_ROWS
N_PAIRS = N_CHUNKS // 2
XSLAB_W = ROWS_PER_W * N_FIELDS

_HALF_OFFS = (0, N_FIELDS - LANES)


def _scatter_chunk(xv, buf, chunk, lane, value_scale):
    for r in range(CHUNK_ROWS):
        row = chunk * CHUNK_ROWS + r
        rr = jnp.full((LANES,), r, jnp.int32)
        for off in _HALF_OFFS:
            fi = lane + off
            vals = plsc.load_gather(xv, [row * N_FIELDS + fi])
            vint = vals.astype(jnp.int32)
            cb = fi * FIELD_W
            plsc.store_scatter(buf, [rr, cb], vals * value_scale)
            plsc.store_scatter(buf, [rr, cb + 1 + vint],
                               jnp.full((LANES,), value_scale, jnp.float32))


def _body(x_hbm, out_hbm, xv, buf0, buf1, sem0, sem1):
    cid = lax.axis_index("c")
    sid = lax.axis_index("s")
    wid = sid * NCORES + cid

    pltpu.sync_copy(x_hbm.at[pl.ds(wid * XSLAB_W, XSLAB_W)], xv)

    bufs = (buf0, buf1)
    sems = (sem0, sem1)

    zeros16 = jnp.zeros((LANES,), jnp.float32)

    def _zero(j, carry):
        for buf in bufs:
            for r in range(CHUNK_ROWS):
                buf[r, pl.ds(j * LANES, LANES)] = zeros16
        return carry

    lax.fori_loop(0, ROW_W // LANES, _zero, 0)
    for buf in bufs:
        for r in range(CHUNK_ROWS):
            buf[r, pl.ds(ROW_W - LANES, LANES)] = zeros16

    lane = lax.iota(jnp.int32, LANES)
    row_base = wid * ROWS_PER_W

    def _dma(b, c):
        return pltpu.make_async_copy(
            bufs[b],
            out_hbm.at[pl.ds(row_base + c * CHUNK_ROWS, CHUNK_ROWS)],
            sems[b])

    def _pair(p, carry):
        for b in range(2):
            c = 2 * p + b

            @pl.when(p > 0)
            def _wait_restore():
                _dma(b, c - 2).wait()
                _scatter_chunk(xv, bufs[b], c - 2, lane, jnp.float32(0.0))

            _scatter_chunk(xv, bufs[b], c, lane, jnp.float32(1.0))
            _dma(b, c).start()
        return carry

    lax.fori_loop(0, N_PAIRS, _pair, 0)
    for b in range(2):
        _dma(b, N_CHUNKS - 2 + b).wait()


_onehot_sc = pl.kernel(
    _body,
    out_type=jax.ShapeDtypeStruct((BATCH, ROW_W), jnp.float32),
    mesh=plsc.VectorSubcoreMesh(
        core_axis_name="c", subcore_axis_name="s",
        num_cores=NCORES, num_subcores=NSUBCORES),
    scratch_types=[
        pltpu.VMEM((XSLAB_W,), jnp.float32),
        pltpu.VMEM((CHUNK_ROWS, ROW_W), jnp.float32),
        pltpu.VMEM((CHUNK_ROWS, ROW_W), jnp.float32),
        pltpu.SemaphoreType.DMA,
        pltpu.SemaphoreType.DMA,
    ],
    compiler_params=pltpu.CompilerParams(needs_layout_passes=False),
)


def kernel(x):
    return _onehot_sc(x.reshape(-1))

# --- scband reference (transcript-rebuilt; emitter-appended) ---
"""Pipeline reference for scband-one-hot-49873160241294 (READ-ONLY COPY).

The authoritative reference and input builder live on the scoring server;
editing this copy changes nothing except your own understanding.
"""

import jax, jax.numpy as jnp
import numpy as np

DEPTHS = [1000] * 26  # per-field one-hot depth (from init_kwargs onehots)
BATCH = 4096
N_FIELDS = 26

def setup_inputs(seed: int = 0) -> dict:
    key = jax.random.key(seed)
    # categorical feature values per field; layer receives them as a float/int matrix
    x_int = jax.random.randint(key, (BATCH, N_FIELDS), 0, 1000)
    x = x_int.astype(jnp.float32)
    return {"x": x}

def reference(x):
    # Faithful translation of OneHot.call: each per-column 'onehot' sub-layer
    # returns the original column plus its one-hot expansion (add_dim columns),
    # matching compute_output_shape = input_dim + sum(add_dims).
    idx = x.astype(jnp.int32)
    outs = []
    for i in range(N_FIELDS):
        col = x[:, i:i + 1]                                   # passthrough of raw column
        oh = jax.nn.one_hot(idx[:, i], DEPTHS[i], dtype=x.dtype)  # scatter-style one-hot (SparseCore-friendly)
        outs.append(jnp.concatenate([col, oh], axis=1))
    return jnp.concatenate(outs, axis=1)                       # [B, 26 * (1 + 1000)] = [4096, 26026]

if __name__ == "__main__":
    import jax
    _d = setup_inputs()
    print(jax.jit(kernel)(*tuple(_d.values())))

</pallas_src>

<mosaic_0001>
#map = affine_map<(d0, d1) -> (0)>
#map1 = affine_map<(d0, d1) -> (0, 0)>
module attributes {stable_mosaic.version = 14 : i64} {
  func.func @_body(%arg0: i32, %arg1: i32, %arg2: memref<106496xf32, #tpu.memory_space<hbm>>, %arg3: memref<4096x26026xf32, #tpu.memory_space<hbm>>, %arg4: memref<3328xf32, #tpu.memory_space<vmem>>, %arg5: memref<2x26026xf32, #tpu.memory_space<vmem>>, %arg6: memref<2x26026xf32, #tpu.memory_space<vmem>>, %arg7: memref<!tpu.dma_semaphore, #tpu.memory_space<semaphore_mem>>, %arg8: memref<!tpu.dma_semaphore, #tpu.memory_space<semaphore_mem>>) attributes {dimension_semantics = [#tpu.dimension_semantics<core_parallel>, #tpu.dimension_semantics<subcore_parallel>], iteration_bounds = array<i64: 2, 16>, scalar_prefetch = 0 : i64, scratch_operands = 5 : i64, tpu.core_type = #tpu.core_type<sc_vector_subcore>, window_params = [{transform_indices = #map}, {transform_indices = #map1}]} {
    %mul3A = arith.constant 2 : i32
    %mul3A_0 = arith.muli %arg1, %mul3A : i32
    %add3A = arith.addi %mul3A_0, %arg0 : i32
    %mul3A_1 = arith.constant 3328 : i32
    %mul3A_2 = arith.muli %add3A, %mul3A_1 : i32
    "tpu.region"() ({
      %run_scoped3A = tpu.sem_alloc : memref<!tpu.dma_semaphore, #tpu.memory_space<semaphore_mem>>
      %dma_start3A = tpu.memref_slice %arg2[%mul3A_2] : memref<106496xf32, #tpu.memory_space<hbm>> -> memref<3328xf32, #tpu.memory_space<hbm>>
      %dma_start3A_43 = tpu.memref_slice %arg2[%mul3A_2] : memref<106496xf32, #tpu.memory_space<hbm>> -> memref<3328xf32, #tpu.memory_space<hbm>>
      tpu.enqueue_dma source(%dma_start3A_43 : memref<3328xf32, #tpu.memory_space<hbm>>) target(%arg4 : memref<3328xf32, #tpu.memory_space<vmem>>) target_semaphore(%run_scoped3A : memref<!tpu.dma_semaphore, #tpu.memory_space<semaphore_mem>>)
      %dma_wait3A_44 = tpu.memref_slice %arg2[%mul3A_2] : memref<106496xf32, #tpu.memory_space<hbm>> -> memref<3328xf32, #tpu.memory_space<hbm>>
      %dma_wait3A_45 = tpu.memref_slice %arg2[%mul3A_2] : memref<106496xf32, #tpu.memory_space<hbm>> -> memref<3328xf32, #tpu.memory_space<hbm>>
      tpu.wait_dma2 semaphore(%run_scoped3A : memref<!tpu.dma_semaphore, #tpu.memory_space<semaphore_mem>>) src(%dma_wait3A_45 : memref<3328xf32, #tpu.memory_space<hbm>>) dst(%arg4 : memref<3328xf32, #tpu.memory_space<vmem>>)
      tpu.yield
    }) : () -> ()
    %broadcast_in_dim3A = arith.constant 0.000000e+00 : f32
    %broadcast_in_dim3A_3 = vector.broadcast %broadcast_in_dim3A : f32 to vector<16xf32>
    %scan3A = arith.constant 0 : i32
    %scan3A_4 = arith.constant 0 : i32
    %scan3A_5 = arith.constant 1626 : i32
    %scan3A_6 = arith.addi %scan3A_4, %scan3A_5 : i32
    %scan3A_7 = arith.constant 1 : i32
    scf.for %scan3A_43 = %scan3A_4 to %scan3A_6 step %scan3A_7  : i32 {
      %mul3A_44 = arith.constant 16 : i32
      %mul3A_45 = arith.muli %scan3A_43, %mul3A_44 : i32
      %swap3A_46 = arith.constant 0 : i32
      %swap3A_47 = arith.index_cast %swap3A_46 : i32 to index
      %swap3A_48 = arith.index_cast %mul3A_45 : i32 to index
      %swap3A_49 = tpu.vector_load %arg5[%swap3A_47, %swap3A_48] {strides = array<i32>} : memref<2x26026xf32, #tpu.memory_space<vmem>>, vector<16xf32>,
      tpu.vector_store %arg5[%swap3A_47, %swap3A_48], %broadcast_in_dim3A_3 {strides = array<i32>} : memref<2x26026xf32, #tpu.memory_space<vmem>>, vector<16xf32>,
      %mul3A_50 = arith.constant 16 : i32
      %mul3A_51 = arith.muli %scan3A_43, %mul3A_50 : i32
      %swap3A_52 = arith.constant 1 : i32
      %swap3A_53 = arith.index_cast %swap3A_52 : i32 to index
      %swap3A_54 = arith.index_cast %mul3A_51 : i32 to index
      %swap3A_55 = tpu.vector_load %arg5[%swap3A_53, %swap3A_54] {strides = array<i32>} : memref<2x26026xf32, #tpu.memory_space<vmem>>, vector<16xf32>,
      tpu.vector_store %arg5[%swap3A_53, %swap3A_54], %broadcast_in_dim3A_3 {strides = array<i32>} : memref<2x26026xf32, #tpu.memory_space<vmem>>, vector<16xf32>,
      %mul3A_56 = arith.constant 16 : i32
      %mul3A_57 = arith.muli %scan3A_43, %mul3A_56 : i32
      %swap3A_58 = arith.constant 0 : i32
      %swap3A_59 = arith.index_cast %swap3A_58 : i32 to index
      %swap3A_60 = arith.index_cast %mul3A_57 : i32 to index
      %swap3A_61 = tpu.vector_load %arg6[%swap3A_59, %swap3A_60] {strides = array<i32>} : memref<2x26026xf32, #tpu.memory_space<vmem>>, vector<16xf32>,
      tpu.vector_store %arg6[%swap3A_59, %swap3A_60], %broadcast_in_dim3A_3 {strides = array<i32>} : memref<2x26026xf32, #tpu.memory_space<vmem>>, vector<16xf32>,
      %mul3A_62 = arith.constant 16 : i32
      %mul3A_63 = arith.muli %scan3A_43, %mul3A_62 : i32
      %swap3A_64 = arith.constant 1 : i32
      %swap3A_65 = arith.index_cast %swap3A_64 : i32 to index
      %swap3A_66 = arith.index_cast %mul3A_63 : i32 to index
      %swap3A_67 = tpu.vector_load %arg6[%swap3A_65, %swap3A_66] {strides = array<i32>} : memref<2x26026xf32, #tpu.memory_space<vmem>>, vector<16xf32>,
      tpu.vector_store %arg6[%swap3A_65, %swap3A_66], %broadcast_in_dim3A_3 {strides = array<i32>} : memref<2x26026xf32, #tpu.memory_space<vmem>>, vector<16xf32>,
    }
    %scan3A_8 = arith.constant 1626 : i32
    %swap3A = arith.constant 0 : i32
    %swap3A_9 = arith.index_cast %swap3A : i32 to index
    %swap3A_10 = arith.constant 26010 : index
    %swap3A_11 = tpu.vector_load %arg5[%swap3A_9, %swap3A_10] {strides = array<i32>} : memref<2x26026xf32, #tpu.memory_space<vmem>>, vector<16xf32>,
    tpu.vector_store %arg5[%swap3A_9, %swap3A_10], %broadcast_in_dim3A_3 {strides = array<i32>} : memref<2x26026xf32, #tpu.memory_space<vmem>>, vector<16xf32>,
    %swap3A_12 = arith.constant 1 : i32
    %swap3A_13 = arith.index_cast %swap3A_12 : i32 to index
    %swap3A_14 = arith.constant 26010 : index
    %swap3A_15 = tpu.vector_load %arg5[%swap3A_13, %swap3A_14] {strides = array<i32>} : memref<2x26026xf32, #tpu.memory_space<vmem>>, vector<16xf32>,
    tpu.vector_store %arg5[%swap3A_13, %swap3A_14], %broadcast_in_dim3A_3 {strides = array<i32>} : memref<2x26026xf32, #tpu.memory_space<vmem>>, vector<16xf32>,
    %swap3A_16 = arith.constant 0 : i32
    %swap3A_17 = arith.index_cast %swap3A_16 : i32 to index
    %swap3A_18 = arith.constant 26010 : index
    %swap3A_19 = tpu.vector_load %arg6[%swap3A_17, %swap3A_18] {strides = array<i32>} : memref<2x26026xf32, #tpu.memory_space<vmem>>, vector<16xf32>,
    tpu.vector_store %arg6[%swap3A_17, %swap3A_18], %broadcast_in_dim3A_3 {strides = array<i32>} : memref<2x26026xf32, #tpu.memory_space<vmem>>, vector<16xf32>,
    %swap3A_20 = arith.constant 1 : i32
    %swap3A_21 = arith.index_cast %swap3A_20 : i32 to index
    %swap3A_22 = arith.constant 26010 : index
    %swap3A_23 = tpu.vector_load %arg6[%swap3A_21, %swap3A_22] {strides = array<i32>} : memref<2x26026xf32, #tpu.memory_space<vmem>>, vector<16xf32>,
    tpu.vector_store %arg6[%swap3A_21, %swap3A_22], %broadcast_in_dim3A_3 {strides = array<i32>} : memref<2x26026xf32, #tpu.memory_space<vmem>>, vector<16xf32>,
    %iota3A = tpu.iota {dimensions = array<i32: 0>} : vector<16xi32>
    %mul3A_24 = arith.constant 128 : i32
    %mul3A_25 = arith.muli %add3A, %mul3A_24 : i32
    %scan3A_26 = arith.constant 0 : i32
    %scan3A_27 = arith.constant 0 : i32
    %scan3A_28 = arith.constant 32 : i32
    %scan3A_29 = arith.addi %scan3A_27, %scan3A_28 : i32
    %scan3A_30 = arith.constant 1 : i32
    scf.for %scan3A_43 = %scan3A_27 to %scan3A_29 step %scan3A_30  : i32 {
      %mul3A_44 = arith.constant 2 : i32
      %mul3A_45 = arith.muli %mul3A_44, %scan3A_43 : i32
      %add3A_46 = arith.constant 0 : i32
      %add3A_47 = arith.addi %mul3A_45, %add3A_46 : i32
      %gt3A = arith.constant 0 : i32
      %gt3A_48 = arith.cmpi sgt, %scan3A_43, %gt3A : i32
      %convert_element_type3A = arith.extui %gt3A_48 : i1 to i32
      %cond3A = arith.constant 0 : i32
      %cond3A_49 = arith.cmpi ne, %convert_element_type3A, %cond3A : i32
      scf.if %cond3A_49 {
        %sub3A = arith.constant 2 : i32
        %sub3A_263 = arith.subi %add3A_47, %sub3A : i32
        %mul3A_264 = arith.constant 2 : i32
        %mul3A_265 = arith.muli %sub3A_263, %mul3A_264 : i32
        %add3A_266 = arith.addi %mul3A_25, %mul3A_265 : i32
        %dma_wait3A_267 = arith.constant 0 : i32
        %dma_wait3A_268 = tpu.memref_slice %arg3[%add3A_266, %dma_wait3A_267] : memref<4096x26026xf32, #tpu.memory_space<hbm>> -> memref<2x26026xf32, #tpu.memory_space<hbm>>
        %dma_wait3A_269 = arith.constant 0 : i32
        %dma_wait3A_270 = tpu.memref_slice %arg3[%add3A_266, %dma_wait3A_269] : memref<4096x26026xf32, #tpu.memory_space<hbm>> -> memref<2x26026xf32, #tpu.memory_space<hbm>>
        tpu.wait_dma2 semaphore(%arg7 : memref<!tpu.dma_semaphore, #tpu.memory_space<semaphore_mem>>) src(%arg5 : memref<2x26026xf32, #tpu.memory_space<vmem>>) dst(%dma_wait3A_270 : memref<2x26026xf32, #tpu.memory_space<hbm>>)
        %sub3A_271 = arith.constant 2 : i32
        %sub3A_272 = arith.subi %add3A_47, %sub3A_271 : i32
        %mul3A_273 = arith.constant 2 : i32
        %mul3A_274 = arith.muli %sub3A_272, %mul3A_273 : i32
        %add3A_275 = arith.constant 0 : i32
        %add3A_276 = arith.addi %mul3A_274, %add3A_275 : i32
        %broadcast_in_dim3A_277 = arith.constant 0 : i32
        %broadcast_in_dim3A_278 = vector.broadcast %broadcast_in_dim3A_277 : i32 to vector<16xi32>
        %add3A_279 = arith.constant 0 : i32
        %add3A_280 = vector.broadcast %add3A_279 : i32 to vector<16xi32>
        %add3A_281 = arith.addi %iota3A, %add3A_280 : vector<16xi32>
        %mul3A_282 = arith.constant 26 : i32
        %mul3A_283 = arith.muli %add3A_276, %mul3A_282 : i32
        %add3A_284 = vector.broadcast %mul3A_283 : i32 to vector<16xi32>
        %add3A_285 = arith.addi %add3A_284, %add3A_281 : vector<16xi32>
        %gather3A_286 = tpu.vector_load_idx %arg4[%add3A_285] : memref<3328xf32, #tpu.memory_space<vmem>>[vector<16xi32>], vector<16xf32>,
        %convert_element_type3A_287 = arith.fptosi %gather3A_286 : vector<16xf32> to vector<16xi32>
        %mul3A_288 = arith.constant 1001 : i32
        %mul3A_289 = vector.broadcast %mul3A_288 : i32 to vector<16xi32>
        %mul3A_290 = arith.muli %add3A_281, %mul3A_289 : vector<16xi32>
        %mul3A_291 = arith.constant 0.000000e+00 : f32
        %mul3A_292 = vector.broadcast %mul3A_291 : f32 to vector<16xf32>
        %mul3A_293 = arith.mulf %gather3A_286, %mul3A_292 : vector<16xf32>
        tpu.vector_store_idx %arg5[%broadcast_in_dim3A_278, %mul3A_290], %mul3A_293 : memref<2x26026xf32, #tpu.memory_space<vmem>>[vector<16xi32>, vector<16xi32>], vector<16xf32>,
        %add3A_294 = arith.constant 1 : i32
        %add3A_295 = vector.broadcast %add3A_294 : i32 to vector<16xi32>
        %add3A_296 = arith.addi %mul3A_290, %add3A_295 : vector<16xi32>
        %add3A_297 = arith.addi %add3A_296, %convert_element_type3A_287 : vector<16xi32>
        %broadcast_in_dim3A_298 = arith.constant 0.000000e+00 : f32
        %broadcast_in_dim3A_299 = vector.broadcast %broadcast_in_dim3A_298 : f32 to vector<16xf32>
        tpu.vector_store_idx %arg5[%broadcast_in_dim3A_278, %add3A_297], %broadcast_in_dim3A_299 : memref<2x26026xf32, #tpu.memory_space<vmem>>[vector<16xi32>, vector<16xi32>], vector<16xf32>,
        %add3A_300 = arith.constant 10 : i32
        %add3A_301 = vector.broadcast %add3A_300 : i32 to vector<16xi32>
        %add3A_302 = arith.addi %iota3A, %add3A_301 : vector<16xi32>
        %mul3A_303 = arith.constant 26 : i32
        %mul3A_304 = arith.muli %add3A_276, %mul3A_303 : i32
        %add3A_305 = vector.broadcast %mul3A_304 : i32 to vector<16xi32>
        %add3A_306 = arith.addi %add3A_305, %add3A_302 : vector<16xi32>
        %gather3A_307 = tpu.vector_load_idx %arg4[%add3A_306] : memref<3328xf32, #tpu.memory_space<vmem>>[vector<16xi32>], vector<16xf32>,
        %convert_element_type3A_308 = arith.fptosi %gather3A_307 : vector<16xf32> to vector<16xi32>
        %mul3A_309 = arith.constant 1001 : i32
        %mul3A_310 = vector.broadcast %mul3A_309 : i32 to vector<16xi32>
        %mul3A_311 = arith.muli %add3A_302, %mul3A_310 : vector<16xi32>
        %mul3A_312 = arith.constant 0.000000e+00 : f32
        %mul3A_313 = vector.broadcast %mul3A_312 : f32 to vector<16xf32>
        %mul3A_314 = arith.mulf %gather3A_307, %mul3A_313 : vector<16xf32>
        tpu.vector_store_idx %arg5[%broadcast_in_dim3A_278, %mul3A_311], %mul3A_314 : memref<2x26026xf32, #tpu.memory_space<vmem>>[vector<16xi32>, vector<16xi32>], vector<16xf32>,
        %add3A_315 = arith.constant 1 : i32
        %add3A_316 = vector.broadcast %add3A_315 : i32 to vector<16xi32>
        %add3A_317 = arith.addi %mul3A_311, %add3A_316 : vector<16xi32>
        %add3A_318 = arith.addi %add3A_317, %convert_element_type3A_308 : vector<16xi32>
        %broadcast_in_dim3A_319 = arith.constant 0.000000e+00 : f32
        %broadcast_in_dim3A_320 = vector.broadcast %broadcast_in_dim3A_319 : f32 to vector<16xf32>
        tpu.vector_store_idx %arg5[%broadcast_in_dim3A_278, %add3A_318], %broadcast_in_dim3A_320 : memref<2x26026xf32, #tpu.memory_space<vmem>>[vector<16xi32>, vector<16xi32>], vector<16xf32>,
        %mul3A_321 = arith.constant 2 : i32
        %mul3A_322 = arith.muli %sub3A_272, %mul3A_321 : i32
        %add3A_323 = arith.constant 1 : i32
        %add3A_324 = arith.addi %mul3A_322, %add3A_323 : i32
        %broadcast_in_dim3A_325 = arith.constant 1 : i32
        %broadcast_in_dim3A_326 = vector.broadcast %broadcast_in_dim3A_325 : i32 to vector<16xi32>
        %add3A_327 = arith.constant 0 : i32
        %add3A_328 = vector.broadcast %add3A_327 : i32 to vector<16xi32>
        %add3A_329 = arith.addi %iota3A, %add3A_328 : vector<16xi32>
        %mul3A_330 = arith.constant 26 : i32
        %mul3A_331 = arith.muli %add3A_324, %mul3A_330 : i32
        %add3A_332 = vector.broadcast %mul3A_331 : i32 to vector<16xi32>
        %add3A_333 = arith.addi %add3A_332, %add3A_329 : vector<16xi32>
        %gather3A_334 = tpu.vector_load_idx %arg4[%add3A_333] : memref<3328xf32, #tpu.memory_space<vmem>>[vector<16xi32>], vector<16xf32>,
        %convert_element_type3A_335 = arith.fptosi %gather3A_334 : vector<16xf32> to vector<16xi32>
        %mul3A_336 = arith.constant 1001 : i32
        %mul3A_337 = vector.broadcast %mul3A_336 : i32 to vector<16xi32>
        %mul3A_338 = arith.muli %add3A_329, %mul3A_337 : vector<16xi32>
        %mul3A_339 = arith.constant 0.000000e+00 : f32
        %mul3A_340 = vector.broadcast %mul3A_339 : f32 to vector<16xf32>
        %mul3A_341 = arith.mulf %gather3A_334, %mul3A_340 : vector<16xf32>
        tpu.vector_store_idx %arg5[%broadcast_in_dim3A_326, %mul3A_338], %mul3A_341 : memref<2x26026xf32, #tpu.memory_space<vmem>>[vector<16xi32>, vector<16xi32>], vector<16xf32>,
        %add3A_342 = arith.constant 1 : i32
        %add3A_343 = vector.broadcast %add3A_342 : i32 to vector<16xi32>
        %add3A_344 = arith.addi %mul3A_338, %add3A_343 : vector<16xi32>
        %add3A_345 = arith.addi %add3A_344, %convert_element_type3A_335 : vector<16xi32>
        %broadcast_in_dim3A_346 = arith.constant 0.000000e+00 : f32
        %broadcast_in_dim3A_347 = vector.broadcast %broadcast_in_dim3A_346 : f32 to vector<16xf32>
        tpu.vector_store_idx %arg5[%broadcast_in_dim3A_326, %add3A_345], %broadcast_in_dim3A_347 : memref<2x26026xf32, #tpu.memory_space<vmem>>[vector<16xi32>, vector<16xi32>], vector<16xf32>,
        %add3A_348 = arith.constant 10 : i32
        %add3A_349 = vector.broadcast %add3A_348 : i32 to vector<16xi32>
        %add3A_350 = arith.addi %iota3A, %add3A_349 : vector<16xi32>
        %mul3A_351 = arith.constant 26 : i32
        %mul3A_352 = arith.muli %add3A_324, %mul3A_351 : i32
        %add3A_353 = vector.broadcast %mul3A_352 : i32 to vector<16xi32>
        %add3A_354 = arith.addi %add3A_353, %add3A_350 : vector<16xi32>
        %gather3A_355 = tpu.vector_load_idx %arg4[%add3A_354] : memref<3328xf32, #tpu.memory_space<vmem>>[vector<16xi32>], vector<16xf32>,
        %convert_element_type3A_356 = arith.fptosi %gather3A_355 : vector<16xf32> to vector<16xi32>
        %mul3A_357 = arith.constant 1001 : i32
        %mul3A_358 = vector.broadcast %mul3A_357 : i32 to vector<16xi32>
        %mul3A_359 = arith.muli %add3A_350, %mul3A_358 : vector<16xi32>
        %mul3A_360 = arith.constant 0.000000e+00 : f32
        %mul3A_361 = vector.broadcast %mul3A_360 : f32 to vector<16xf32>
        %mul3A_362 = arith.mulf %gather3A_355, %mul3A_361 : vector<16xf32>
        tpu.vector_store_idx %arg5[%broadcast_in_dim3A_326, %mul3A_359], %mul3A_362 : memref<2x26026xf32, #tpu.memory_space<vmem>>[vector<16xi32>, vector<16xi32>], vector<16xf32>,
        %add3A_363 = arith.constant 1 : i32
        %add3A_364 = vector.broadcast %add3A_363 : i32 to vector<16xi32>
        %add3A_365 = arith.addi %mul3A_359, %add3A_364 : vector<16xi32>
        %add3A_366 = arith.addi %add3A_365, %convert_element_type3A_356 : vector<16xi32>
        %broadcast_in_dim3A_367 = arith.constant 0.000000e+00 : f32
        %broadcast_in_dim3A_368 = vector.broadcast %broadcast_in_dim3A_367 : f32 to vector<16xf32>
        tpu.vector_store_idx %arg5[%broadcast_in_dim3A_326, %add3A_366], %broadcast_in_dim3A_368 : memref<2x26026xf32, #tpu.memory_space<vmem>>[vector<16xi32>, vector<16xi32>], vector<16xf32>,
      } else {
      }
      %mul3A_50 = arith.constant 2 : i32
      %mul3A_51 = arith.muli %add3A_47, %mul3A_50 : i32
      %add3A_52 = arith.constant 0 : i32
      %add3A_53 = arith.addi %mul3A_51, %add3A_52 : i32
      %broadcast_in_dim3A_54 = arith.constant 0 : i32
      %broadcast_in_dim3A_55 = vector.broadcast %broadcast_in_dim3A_54 : i32 to vector<16xi32>
      %add3A_56 = arith.constant 0 : i32
      %add3A_57 = vector.broadcast %add3A_56 : i32 to vector<16xi32>
      %add3A_58 = arith.addi %iota3A, %add3A_57 : vector<16xi32>
      %mul3A_59 = arith.constant 26 : i32
      %mul3A_60 = arith.muli %add3A_53, %mul3A_59 : i32
      %add3A_61 = vector.broadcast %mul3A_60 : i32 to vector<16xi32>
      %add3A_62 = arith.addi %add3A_61, %add3A_58 : vector<16xi32>
      %gather3A = tpu.vector_load_idx %arg4[%add3A_62] : memref<3328xf32, #tpu.memory_space<vmem>>[vector<16xi32>], vector<16xf32>,
      %convert_element_type3A_63 = arith.fptosi %gather3A : vector<16xf32> to vector<16xi32>
      %mul3A_64 = arith.constant 1001 : i32
      %mul3A_65 = vector.broadcast %mul3A_64 : i32 to vector<16xi32>
      %mul3A_66 = arith.muli %add3A_58, %mul3A_65 : vector<16xi32>
      %mul3A_67 = arith.constant 1.000000e+00 : f32
      %mul3A_68 = vector.broadcast %mul3A_67 : f32 to vector<16xf32>
      %mul3A_69 = arith.mulf %gather3A, %mul3A_68 : vector<16xf32>
      tpu.vector_store_idx %arg5[%broadcast_in_dim3A_55, %mul3A_66], %mul3A_69 : memref<2x26026xf32, #tpu.memory_space<vmem>>[vector<16xi32>, vector<16xi32>], vector<16xf32>,
      %add3A_70 = arith.constant 1 : i32
      %add3A_71 = vector.broadcast %add3A_70 : i32 to vector<16xi32>
      %add3A_72 = arith.addi %mul3A_66, %add3A_71 : vector<16xi32>
      %add3A_73 = arith.addi %add3A_72, %convert_element_type3A_63 : vector<16xi32>
      %broadcast_in_dim3A_74 = arith.constant 1.000000e+00 : f32
      %broadcast_in_dim3A_75 = vector.broadcast %broadcast_in_dim3A_74 : f32 to vector<16xf32>
      tpu.vector_store_idx %arg5[%broadcast_in_dim3A_55, %add3A_73], %broadcast_in_dim3A_75 : memref<2x26026xf32, #tpu.memory_space<vmem>>[vector<16xi32>, vector<16xi32>], vector<16xf32>,
      %add3A_76 = arith.constant 10 : i32
      %add3A_77 = vector.broadcast %add3A_76 : i32 to vector<16xi32>
      %add3A_78 = arith.addi %iota3A, %add3A_77 : vector<16xi32>
      %mul3A_79 = arith.constant 26 : i32
      %mul3A_80 = arith.muli %add3A_53, %mul3A_79 : i32
      %add3A_81 = vector.broadcast %mul3A_80 : i32 to vector<16xi32>
      %add3A_82 = arith.addi %add3A_81, %add3A_78 : vector<16xi32>
      %gather3A_83 = tpu.vector_load_idx %arg4[%add3A_82] : memref<3328xf32, #tpu.memory_space<vmem>>[vector<16xi32>], vector<16xf32>,
      %convert_element_type3A_84 = arith.fptosi %gather3A_83 : vector<16xf32> to vector<16xi32>
      %mul3A_85 = arith.constant 1001 : i32
      %mul3A_86 = vector.broadcast %mul3A_85 : i32 to vector<16xi32>
      %mul3A_87 = arith.muli %add3A_78, %mul3A_86 : vector<16xi32>
      %mul3A_88 = arith.constant 1.000000e+00 : f32
      %mul3A_89 = vector.broadcast %mul3A_88 : f32 to vector<16xf32>
      %mul3A_90 = arith.mulf %gather3A_83, %mul3A_89 : vector<16xf32>
      tpu.vector_store_idx %arg5[%broadcast_in_dim3A_55, %mul3A_87], %mul3A_90 : memref<2x26026xf32, #tpu.memory_space<vmem>>[vector<16xi32>, vector<16xi32>], vector<16xf32>,
      %add3A_91 = arith.constant 1 : i32
      %add3A_92 = vector.broadcast %add3A_91 : i32 to vector<16xi32>
      %add3A_93 = arith.addi %mul3A_87, %add3A_92 : vector<16xi32>
      %add3A_94 = arith.addi %add3A_93, %convert_element_type3A_84 : vector<16xi32>
      %broadcast_in_dim3A_95 = arith.constant 1.000000e+00 : f32
      %broadcast_in_dim3A_96 = vector.broadcast %broadcast_in_dim3A_95 : f32 to vector<16xf32>
      tpu.vector_store_idx %arg5[%broadcast_in_dim3A_55, %add3A_94], %broadcast_in_dim3A_96 : memref<2x26026xf32, #tpu.memory_space<vmem>>[vector<16xi32>, vector<16xi32>], vector<16xf32>,
      %mul3A_97 = arith.constant 2 : i32
      %mul3A_98 = arith.muli %add3A_47, %mul3A_97 : i32
      %add3A_99 = arith.constant 1 : i32
      %add3A_100 = arith.addi %mul3A_98, %add3A_99 : i32
      %broadcast_in_dim3A_101 = arith.constant 1 : i32
      %broadcast_in_dim3A_102 = vector.broadcast %broadcast_in_dim3A_101 : i32 to vector<16xi32>
      %add3A_103 = arith.constant 0 : i32
      %add3A_104 = vector.broadcast %add3A_103 : i32 to vector<16xi32>
      %add3A_105 = arith.addi %iota3A, %add3A_104 : vector<16xi32>
      %mul3A_106 = arith.constant 26 : i32
      %mul3A_107 = arith.muli %add3A_100, %mul3A_106 : i32
      %add3A_108 = vector.broadcast %mul3A_107 : i32 to vector<16xi32>
      %add3A_109 = arith.addi %add3A_108, %add3A_105 : vector<16xi32>
      %gather3A_110 = tpu.vector_load_idx %arg4[%add3A_109] : memref<3328xf32, #tpu.memory_space<vmem>>[vector<16xi32>], vector<16xf32>,
      %convert_element_type3A_111 = arith.fptosi %gather3A_110 : vector<16xf32> to vector<16xi32>
      %mul3A_112 = arith.constant 1001 : i32
      %mul3A_113 = vector.broadcast %mul3A_112 : i32 to vector<16xi32>
      %mul3A_114 = arith.muli %add3A_105, %mul3A_113 : vector<16xi32>
      %mul3A_115 = arith.constant 1.000000e+00 : f32
      %mul3A_116 = vector.broadcast %mul3A_115 : f32 to vector<16xf32>
      %mul3A_117 = arith.mulf %gather3A_110, %mul3A_116 : vector<16xf32>
      tpu.vector_store_idx %arg5[%broadcast_in_dim3A_102, %mul3A_114], %mul3A_117 : memref<2x26026xf32, #tpu.memory_space<vmem>>[vector<16xi32>, vector<16xi32>], vector<16xf32>,
      %add3A_118 = arith.constant 1 : i32
      %add3A_119 = vector.broadcast %add3A_118 : i32 to vector<16xi32>
      %add3A_120 = arith.addi %mul3A_114, %add3A_119 : vector<16xi32>
      %add3A_121 = arith.addi %add3A_120, %convert_element_type3A_111 : vector<16xi32>
      %broadcast_in_dim3A_122 = arith.constant 1.000000e+00 : f32
      %broadcast_in_dim3A_123 = vector.broadcast %broadcast_in_dim3A_122 : f32 to vector<16xf32>
      tpu.vector_store_idx %arg5[%broadcast_in_dim3A_102, %add3A_121], %broadcast_in_dim3A_123 : memref<2x26026xf32, #tpu.memory_space<vmem>>[vector<16xi32>, vector<16xi32>], vector<16xf32>,
      %add3A_124 = arith.constant 10 : i32
      %add3A_125 = vector.broadcast %add3A_124 : i32 to vector<16xi32>
      %add3A_126 = arith.addi %iota3A, %add3A_125 : vector<16xi32>
      %mul3A_127 = arith.constant 26 : i32
      %mul3A_128 = arith.muli %add3A_100, %mul3A_127 : i32
      %add3A_129 = vector.broadcast %mul3A_128 : i32 to vector<16xi32>
      %add3A_130 = arith.addi %add3A_129, %add3A_126 : vector<16xi32>
      %gather3A_131 = tpu.vector_load_idx %arg4[%add3A_130] : memref<3328xf32, #tpu.memory_space<vmem>>[vector<16xi32>], vector<16xf32>,
      %convert_element_type3A_132 = arith.fptosi %gather3A_131 : vector<16xf32> to vector<16xi32>
      %mul3A_133 = arith.constant 1001 : i32
      %mul3A_134 = vector.broadcast %mul3A_133 : i32 to vector<16xi32>
      %mul3A_135 = arith.muli %add3A_126, %mul3A_134 : vector<16xi32>
      %mul3A_136 = arith.constant 1.000000e+00 : f32
      %mul3A_137 = vector.broadcast %mul3A_136 : f32 to vector<16xf32>
      %mul3A_138 = arith.mulf %gather3A_131, %mul3A_137 : vector<16xf32>
      tpu.vector_store_idx %arg5[%broadcast_in_dim3A_102, %mul3A_135], %mul3A_138 : memref<2x26026xf32, #tpu.memory_space<vmem>>[vector<16xi32>, vector<16xi32>], vector<16xf32>,
      %add3A_139 = arith.constant 1 : i32
      %add3A_140 = vector.broadcast %add3A_139 : i32 to vector<16xi32>
      %add3A_141 = arith.addi %mul3A_135, %add3A_140 : vector<16xi32>
      %add3A_142 = arith.addi %add3A_141, %convert_element_type3A_132 : vector<16xi32>
      %broadcast_in_dim3A_143 = arith.constant 1.000000e+00 : f32
      %broadcast_in_dim3A_144 = vector.broadcast %broadcast_in_dim3A_143 : f32 to vector<16xf32>
      tpu.vector_store_idx %arg5[%broadcast_in_dim3A_102, %add3A_142], %broadcast_in_dim3A_144 : memref<2x26026xf32, #tpu.memory_space<vmem>>[vector<16xi32>, vector<16xi32>], vector<16xf32>,
      %mul3A_145 = arith.constant 2 : i32
      %mul3A_146 = arith.muli %add3A_47, %mul3A_145 : i32
      %add3A_147 = arith.addi %mul3A_25, %mul3A_146 : i32
      %dma_start3A = arith.constant 0 : i32
      %dma_start3A_148 = tpu.memref_slice %arg3[%add3A_147, %dma_start3A] : memref<4096x26026xf32, #tpu.memory_space<hbm>> -> memref<2x26026xf32, #tpu.memory_space<hbm>>
      %dma_start3A_149 = arith.constant 0 : i32
      %dma_start3A_150 = tpu.memref_slice %arg3[%add3A_147, %dma_start3A_149] : memref<4096x26026xf32, #tpu.memory_space<hbm>> -> memref<2x26026xf32, #tpu.memory_space<hbm>>
      tpu.enqueue_dma source(%arg5 : memref<2x26026xf32, #tpu.memory_space<vmem>>) target(%dma_start3A_150 : memref<2x26026xf32, #tpu.memory_space<hbm>>) target_semaphore(%arg7 : memref<!tpu.dma_semaphore, #tpu.memory_space<semaphore_mem>>)
      %mul3A_151 = arith.constant 2 : i32
      %mul3A_152 = arith.muli %mul3A_151, %scan3A_43 : i32
      %add3A_153 = arith.constant 1 : i32
      %add3A_154 = arith.addi %mul3A_152, %add3A_153 : i32
      %gt3A_155 = arith.constant 0 : i32
      %gt3A_156 = arith.cmpi sgt, %scan3A_43, %gt3A_155 : i32
      %convert_element_type3A_157 = arith.extui %gt3A_156 : i1 to i32
      %cond3A_158 = arith.constant 0 : i32
      %cond3A_159 = arith.cmpi ne, %convert_element_type3A_157, %cond3A_158 : i32
      scf.if %cond3A_159 {
        %sub3A = arith.constant 2 : i32
        %sub3A_263 = arith.subi %add3A_154, %sub3A : i32
        %mul3A_264 = arith.constant 2 : i32
        %mul3A_265 = arith.muli %sub3A_263, %mul3A_264 : i32
        %add3A_266 = arith.addi %mul3A_25, %mul3A_265 : i32
        %dma_wait3A_267 = arith.constant 0 : i32
        %dma_wait3A_268 = tpu.memref_slice %arg3[%add3A_266, %dma_wait3A_267] : memref<4096x26026xf32, #tpu.memory_space<hbm>> -> memref<2x26026xf32, #tpu.memory_space<hbm>>
        %dma_wait3A_269 = arith.constant 0 : i32
        %dma_wait3A_270 = tpu.memref_slice %arg3[%add3A_266, %dma_wait3A_269] : memref<4096x26026xf32, #tpu.memory_space<hbm>> -> memref<2x26026xf32, #tpu.memory_space<hbm>>
        tpu.wait_dma2 semaphore(%arg8 : memref<!tpu.dma_semaphore, #tpu.memory_space<semaphore_mem>>) src(%arg6 : memref<2x26026xf32, #tpu.memory_space<vmem>>) dst(%dma_wait3A_270 : memref<2x26026xf32, #tpu.memory_space<hbm>>)
        %sub3A_271 = arith.constant 2 : i32
        %sub3A_272 = arith.subi %add3A_154, %sub3A_271 : i32
        %mul3A_273 = arith.constant 2 : i32
        %mul3A_274 = arith.muli %sub3A_272, %mul3A_273 : i32
        %add3A_275 = arith.constant 0 : i32
        %add3A_276 = arith.addi %mul3A_274, %add3A_275 : i32
        %broadcast_in_dim3A_277 = arith.constant 0 : i32
        %broadcast_in_dim3A_278 = vector.broadcast %broadcast_in_dim3A_277 : i32 to vector<16xi32>
        %add3A_279 = arith.constant 0 : i32
        %add3A_280 = vector.broadcast %add3A_279 : i32 to vector<16xi32>
        %add3A_281 = arith.addi %iota3A, %add3A_280 : vector<16xi32>
        %mul3A_282 = arith.constant 26 : i32
        %mul3A_283 = arith.muli %add3A_276, %mul3A_282 : i32
        %add3A_284 = vector.broadcast %mul3A_283 : i32 to vector<16xi32>
        %add3A_285 = arith.addi %add3A_284, %add3A_281 : vector<16xi32>
        %gather3A_286 = tpu.vector_load_idx %arg4[%add3A_285] : memref<3328xf32, #tpu.memory_space<vmem>>[vector<16xi32>], vector<16xf32>,
        %convert_element_type3A_287 = arith.fptosi %gather3A_286 : vector<16xf32> to vector<16xi32>
        %mul3A_288 = arith.constant 1001 : i32
        %mul3A_289 = vector.broadcast %mul3A_288 : i32 to vector<16xi32>
        %mul3A_290 = arith.muli %add3A_281, %mul3A_289 : vector<16xi32>
        %mul3A_291 = arith.constant 0.000000e+00 : f32
        %mul3A_292 = vector.broadcast %mul3A_291 : f32 to vector<16xf32>
        %mul3A_293 = arith.mulf %gather3A_286, %mul3A_292 : vector<16xf32>
        tpu.vector_store_idx %arg6[%broadcast_in_dim3A_278, %mul3A_290], %mul3A_293 : memref<2x26026xf32, #tpu.memory_space<vmem>>[vector<16xi32>, vector<16xi32>], vector<16xf32>,
        %add3A_294 = arith.constant 1 : i32
        %add3A_295 = vector.broadcast %add3A_294 : i32 to vector<16xi32>
        %add3A_296 = arith.addi %mul3A_290, %add3A_295 : vector<16xi32>
        %add3A_297 = arith.addi %add3A_296, %convert_element_type3A_287 : vector<16xi32>
        %broadcast_in_dim3A_298 = arith.constant 0.000000e+00 : f32
        %broadcast_in_dim3A_299 = vector.broadcast %broadcast_in_dim3A_298 : f32 to vector<16xf32>
        tpu.vector_store_idx %arg6[%broadcast_in_dim3A_278, %add3A_297], %broadcast_in_dim3A_299 : memref<2x26026xf32, #tpu.memory_space<vmem>>[vector<16xi32>, vector<16xi32>], vector<16xf32>,
        %add3A_300 = arith.constant 10 : i32
        %add3A_301 = vector.broadcast %add3A_300 : i32 to vector<16xi32>
        %add3A_302 = arith.addi %iota3A, %add3A_301 : vector<16xi32>
        %mul3A_303 = arith.constant 26 : i32
        %mul3A_304 = arith.muli %add3A_276, %mul3A_303 : i32
        %add3A_305 = vector.broadcast %mul3A_304 : i32 to vector<16xi32>
        %add3A_306 = arith.addi %add3A_305, %add3A_302 : vector<16xi32>
        %gather3A_307 = tpu.vector_load_idx %arg4[%add3A_306] : memref<3328xf32, #tpu.memory_space<vmem>>[vector<16xi32>], vector<16xf32>,
        %convert_element_type3A_308 = arith.fptosi %gather3A_307 : vector<16xf32> to vector<16xi32>
        %mul3A_309 = arith.constant 1001 : i32
        %mul3A_310 = vector.broadcast %mul3A_309 : i32 to vector<16xi32>
        %mul3A_311 = arith.muli %add3A_302, %mul3A_310 : vector<16xi32>
        %mul3A_312 = arith.constant 0.000000e+00 : f32
        %mul3A_313 = vector.broadcast %mul3A_312 : f32 to vector<16xf32>
        %mul3A_314 = arith.mulf %gather3A_307, %mul3A_313 : vector<16xf32>
        tpu.vector_store_idx %arg6[%broadcast_in_dim3A_278, %mul3A_311], %mul3A_314 : memref<2x26026xf32, #tpu.memory_space<vmem>>[vector<16xi32>, vector<16xi32>], vector<16xf32>,
        %add3A_315 = arith.constant 1 : i32
        %add3A_316 = vector.broadcast %add3A_315 : i32 to vector<16xi32>
        %add3A_317 = arith.addi %mul3A_311, %add3A_316 : vector<16xi32>
        %add3A_318 = arith.addi %add3A_317, %convert_element_type3A_308 : vector<16xi32>
        %broadcast_in_dim3A_319 = arith.constant 0.000000e+00 : f32
        %broadcast_in_dim3A_320 = vector.broadcast %broadcast_in_dim3A_319 : f32 to vector<16xf32>
        tpu.vector_store_idx %arg6[%broadcast_in_dim3A_278, %add3A_318], %broadcast_in_dim3A_320 : memref<2x26026xf32, #tpu.memory_space<vmem>>[vector<16xi32>, vector<16xi32>], vector<16xf32>,
        %mul3A_321 = arith.constant 2 : i32
        %mul3A_322 = arith.muli %sub3A_272, %mul3A_321 : i32
        %add3A_323 = arith.constant 1 : i32
        %add3A_324 = arith.addi %mul3A_322, %add3A_323 : i32
        %broadcast_in_dim3A_325 = arith.constant 1 : i32
        %broadcast_in_dim3A_326 = vector.broadcast %broadcast_in_dim3A_325 : i32 to vector<16xi32>
        %add3A_327 = arith.constant 0 : i32
        %add3A_328 = vector.broadcast %add3A_327 : i32 to vector<16xi32>
        %add3A_329 = arith.addi %iota3A, %add3A_328 : vector<16xi32>
        %mul3A_330 = arith.constant 26 : i32
        %mul3A_331 = arith.muli %add3A_324, %mul3A_330 : i32
        %add3A_332 = vector.broadcast %mul3A_331 : i32 to vector<16xi32>
        %add3A_333 = arith.addi %add3A_332, %add3A_329 : vector<16xi32>
        %gather3A_334 = tpu.vector_load_idx %arg4[%add3A_333] : memref<3328xf32, #tpu.memory_space<vmem>>[vector<16xi32>], vector<16xf32>,
        %convert_element_type3A_335 = arith.fptosi %gather3A_334 : vector<16xf32> to vector<16xi32>
        %mul3A_336 = arith.constant 1001 : i32
        %mul3A_337 = vector.broadcast %mul3A_336 : i32 to vector<16xi32>
        %mul3A_338 = arith.muli %add3A_329, %mul3A_337 : vector<16xi32>
        %mul3A_339 = arith.constant 0.000000e+00 : f32
        %mul3A_340 = vector.broadcast %mul3A_339 : f32 to vector<16xf32>
        %mul3A_341 = arith.mulf %gather3A_334, %mul3A_340 : vector<16xf32>
        tpu.vector_store_idx %arg6[%broadcast_in_dim3A_326, %mul3A_338], %mul3A_341 : memref<2x26026xf32, #tpu.memory_space<vmem>>[vector<16xi32>, vector<16xi32>], vector<16xf32>,
        %add3A_342 = arith.constant 1 : i32
        %add3A_343 = vector.broadcast %add3A_342 : i32 to vector<16xi32>
        %add3A_344 = arith.addi %mul3A_338, %add3A_343 : vector<16xi32>
        %add3A_345 = arith.addi %add3A_344, %convert_element_type3A_335 : vector<16xi32>
        %broadcast_in_dim3A_346 = arith.constant 0.000000e+00 : f32
        %broadcast_in_dim3A_347 = vector.broadcast %broadcast_in_dim3A_346 : f32 to vector<16xf32>
        tpu.vector_store_idx %arg6[%broadcast_in_dim3A_326, %add3A_345], %broadcast_in_dim3A_347 : memref<2x26026xf32, #tpu.memory_space<vmem>>[vector<16xi32>, vector<16xi32>], vector<16xf32>,
        %add3A_348 = arith.constant 10 : i32
        %add3A_349 = vector.broadcast %add3A_348 : i32 to vector<16xi32>
        %add3A_350 = arith.addi %iota3A, %add3A_349 : vector<16xi32>
        %mul3A_351 = arith.constant 26 : i32
        %mul3A_352 = arith.muli %add3A_324, %mul3A_351 : i32
        %add3A_353 = vector.broadcast %mul3A_352 : i32 to vector<16xi32>
        %add3A_354 = arith.addi %add3A_353, %add3A_350 : vector<16xi32>
        %gather3A_355 = tpu.vector_load_idx %arg4[%add3A_354] : memref<3328xf32, #tpu.memory_space<vmem>>[vector<16xi32>], vector<16xf32>,
        %convert_element_type3A_356 = arith.fptosi %gather3A_355 : vector<16xf32> to vector<16xi32>
        %mul3A_357 = arith.constant 1001 : i32
        %mul3A_358 = vector.broadcast %mul3A_357 : i32 to vector<16xi32>
        %mul3A_359 = arith.muli %add3A_350, %mul3A_358 : vector<16xi32>
        %mul3A_360 = arith.constant 0.000000e+00 : f32
        %mul3A_361 = vector.broadcast %mul3A_360 : f32 to vector<16xf32>
        %mul3A_362 = arith.mulf %gather3A_355, %mul3A_361 : vector<16xf32>
        tpu.vector_store_idx %arg6[%broadcast_in_dim3A_326, %mul3A_359], %mul3A_362 : memref<2x26026xf32, #tpu.memory_space<vmem>>[vector<16xi32>, vector<16xi32>], vector<16xf32>,
        %add3A_363 = arith.constant 1 : i32
        %add3A_364 = vector.broadcast %add3A_363 : i32 to vector<16xi32>
        %add3A_365 = arith.addi %mul3A_359, %add3A_364 : vector<16xi32>
        %add3A_366 = arith.addi %add3A_365, %convert_element_type3A_356 : vector<16xi32>
        %broadcast_in_dim3A_367 = arith.constant 0.000000e+00 : f32
        %broadcast_in_dim3A_368 = vector.broadcast %broadcast_in_dim3A_367 : f32 to vector<16xf32>
        tpu.vector_store_idx %arg6[%broadcast_in_dim3A_326, %add3A_366], %broadcast_in_dim3A_368 : memref<2x26026xf32, #tpu.memory_space<vmem>>[vector<16xi32>, vector<16xi32>], vector<16xf32>,
      } else {
      }
      %mul3A_160 = arith.constant 2 : i32
      %mul3A_161 = arith.muli %add3A_154, %mul3A_160 : i32
      %add3A_162 = arith.constant 0 : i32
      %add3A_163 = arith.addi %mul3A_161, %add3A_162 : i32
      %broadcast_in_dim3A_164 = arith.constant 0 : i32
      %broadcast_in_dim3A_165 = vector.broadcast %broadcast_in_dim3A_164 : i32 to vector<16xi32>
      %add3A_166 = arith.constant 0 : i32
      %add3A_167 = vector.broadcast %add3A_166 : i32 to vector<16xi32>
      %add3A_168 = arith.addi %iota3A, %add3A_167 : vector<16xi32>
      %mul3A_169 = arith.constant 26 : i32
      %mul3A_170 = arith.muli %add3A_163, %mul3A_169 : i32
      %add3A_171 = vector.broadcast %mul3A_170 : i32 to vector<16xi32>
      %add3A_172 = arith.addi %add3A_171, %add3A_168 : vector<16xi32>
      %gather3A_173 = tpu.vector_load_idx %arg4[%add3A_172] : memref<3328xf32, #tpu.memory_space<vmem>>[vector<16xi32>], vector<16xf32>,
      %convert_element_type3A_174 = arith.fptosi %gather3A_173 : vector<16xf32> to vector<16xi32>
      %mul3A_175 = arith.constant 1001 : i32
      %mul3A_176 = vector.broadcast %mul3A_175 : i32 to vector<16xi32>
      %mul3A_177 = arith.muli %add3A_168, %mul3A_176 : vector<16xi32>
      %mul3A_178 = arith.constant 1.000000e+00 : f32
      %mul3A_179 = vector.broadcast %mul3A_178 : f32 to vector<16xf32>
      %mul3A_180 = arith.mulf %gather3A_173, %mul3A_179 : vector<16xf32>
      tpu.vector_store_idx %arg6[%broadcast_in_dim3A_165, %mul3A_177], %mul3A_180 : memref<2x26026xf32, #tpu.memory_space<vmem>>[vector<16xi32>, vector<16xi32>], vector<16xf32>,
      %add3A_181 = arith.constant 1 : i32
      %add3A_182 = vector.broadcast %add3A_181 : i32 to vector<16xi32>
      %add3A_183 = arith.addi %mul3A_177, %add3A_182 : vector<16xi32>
      %add3A_184 = arith.addi %add3A_183, %convert_element_type3A_174 : vector<16xi32>
      %broadcast_in_dim3A_185 = arith.constant 1.000000e+00 : f32
      %broadcast_in_dim3A_186 = vector.broadcast %broadcast_in_dim3A_185 : f32 to vector<16xf32>
      tpu.vector_store_idx %arg6[%broadcast_in_dim3A_165, %add3A_184], %broadcast_in_dim3A_186 : memref<2x26026xf32, #tpu.memory_space<vmem>>[vector<16xi32>, vector<16xi32>], vector<16xf32>,
      %add3A_187 = arith.constant 10 : i32
      %add3A_188 = vector.broadcast %add3A_187 : i32 to vector<16xi32>
      %add3A_189 = arith.addi %iota3A, %add3A_188 : vector<16xi32>
      %mul3A_190 = arith.constant 26 : i32
      %mul3A_191 = arith.muli %add3A_163, %mul3A_190 : i32
      %add3A_192 = vector.broadcast %mul3A_191 : i32 to vector<16xi32>
      %add3A_193 = arith.addi %add3A_192, %add3A_189 : vector<16xi32>
      %gather3A_194 = tpu.vector_load_idx %arg4[%add3A_193] : memref<3328xf32, #tpu.memory_space<vmem>>[vector<16xi32>], vector<16xf32>,
      %convert_element_type3A_195 = arith.fptosi %gather3A_194 : vector<16xf32> to vector<16xi32>
      %mul3A_196 = arith.constant 1001 : i32
      %mul3A_197 = vector.broadcast %mul3A_196 : i32 to vector<16xi32>
      %mul3A_198 = arith.muli %add3A_189, %mul3A_197 : vector<16xi32>
      %mul3A_199 = arith.constant 1.000000e+00 : f32
      %mul3A_200 = vector.broadcast %mul3A_199 : f32 to vector<16xf32>
      %mul3A_201 = arith.mulf %gather3A_194, %mul3A_200 : vector<16xf32>
      tpu.vector_store_idx %arg6[%broadcast_in_dim3A_165, %mul3A_198], %mul3A_201 : memref<2x26026xf32, #tpu.memory_space<vmem>>[vector<16xi32>, vector<16xi32>], vector<16xf32>,
      %add3A_202 = arith.constant 1 : i32
      %add3A_203 = vector.broadcast %add3A_202 : i32 to vector<16xi32>
      %add3A_204 = arith.addi %mul3A_198, %add3A_203 : vector<16xi32>
      %add3A_205 = arith.addi %add3A_204, %convert_element_type3A_195 : vector<16xi32>
      %broadcast_in_dim3A_206 = arith.constant 1.000000e+00 : f32
      %broadcast_in_dim3A_207 = vector.broadcast %broadcast_in_dim3A_206 : f32 to vector<16xf32>
      tpu.vector_store_idx %arg6[%broadcast_in_dim3A_165, %add3A_205], %broadcast_in_dim3A_207 : memref<2x26026xf32, #tpu.memory_space<vmem>>[vector<16xi32>, vector<16xi32>], vector<16xf32>,
      %mul3A_208 = arith.constant 2 : i32
      %mul3A_209 = arith.muli %add3A_154, %mul3A_208 : i32
      %add3A_210 = arith.constant 1 : i32
      %add3A_211 = arith.addi %mul3A_209, %add3A_210 : i32
      %broadcast_in_dim3A_212 = arith.constant 1 : i32
      %broadcast_in_dim3A_213 = vector.broadcast %broadcast_in_dim3A_212 : i32 to vector<16xi32>
      %add3A_214 = arith.constant 0 : i32
      %add3A_215 = vector.broadcast %add3A_214 : i32 to vector<16xi32>
      %add3A_216 = arith.addi %iota3A, %add3A_215 : vector<16xi32>
      %mul3A_217 = arith.constant 26 : i32
      %mul3A_218 = arith.muli %add3A_211, %mul3A_217 : i32
      %add3A_219 = vector.broadcast %mul3A_218 : i32 to vector<16xi32>
      %add3A_220 = arith.addi %add3A_219, %add3A_216 : vector<16xi32>
      %gather3A_221 = tpu.vector_load_idx %arg4[%add3A_220] : memref<3328xf32, #tpu.memory_space<vmem>>[vector<16xi32>], vector<16xf32>,
      %convert_element_type3A_222 = arith.fptosi %gather3A_221 : vector<16xf32> to vector<16xi32>
      %mul3A_223 = arith.constant 1001 : i32
      %mul3A_224 = vector.broadcast %mul3A_223 : i32 to vector<16xi32>
      %mul3A_225 = arith.muli %add3A_216, %mul3A_224 : vector<16xi32>
      %mul3A_226 = arith.constant 1.000000e+00 : f32
      %mul3A_227 = vector.broadcast %mul3A_226 : f32 to vector<16xf32>
      %mul3A_228 = arith.mulf %gather3A_221, %mul3A_227 : vector<16xf32>
      tpu.vector_store_idx %arg6[%broadcast_in_dim3A_213, %mul3A_225], %mul3A_228 : memref<2x26026xf32, #tpu.memory_space<vmem>>[vector<16xi32>, vector<16xi32>], vector<16xf32>,
      %add3A_229 = arith.constant 1 : i32
      %add3A_230 = vector.broadcast %add3A_229 : i32 to vector<16xi32>
      %add3A_231 = arith.addi %mul3A_225, %add3A_230 : vector<16xi32>
      %add3A_232 = arith.addi %add3A_231, %convert_element_type3A_222 : vector<16xi32>
      %broadcast_in_dim3A_233 = arith.constant 1.000000e+00 : f32
      %broadcast_in_dim3A_234 = vector.broadcast %broadcast_in_dim3A_233 : f32 to vector<16xf32>
      tpu.vector_store_idx %arg6[%broadcast_in_dim3A_213, %add3A_232], %broadcast_in_dim3A_234 : memref<2x26026xf32, #tpu.memory_space<vmem>>[vector<16xi32>, vector<16xi32>], vector<16xf32>,
      %add3A_235 = arith.constant 10 : i32
      %add3A_236 = vector.broadcast %add3A_235 : i32 to vector<16xi32>
      %add3A_237 = arith.addi %iota3A, %add3A_236 : vector<16xi32>
      %mul3A_238 = arith.constant 26 : i32
      %mul3A_239 = arith.muli %add3A_211, %mul3A_238 : i32
      %add3A_240 = vector.broadcast %mul3A_239 : i32 to vector<16xi32>
      %add3A_241 = arith.addi %add3A_240, %add3A_237 : vector<16xi32>
      %gather3A_242 = tpu.vector_load_idx %arg4[%add3A_241] : memref<3328xf32, #tpu.memory_space<vmem>>[vector<16xi32>], vector<16xf32>,
      %convert_element_type3A_243 = arith.fptosi %gather3A_242 : vector<16xf32> to vector<16xi32>
      %mul3A_244 = arith.constant 1001 : i32
      %mul3A_245 = vector.broadcast %mul3A_244 : i32 to vector<16xi32>
      %mul3A_246 = arith.muli %add3A_237, %mul3A_245 : vector<16xi32>
      %mul3A_247 = arith.constant 1.000000e+00 : f32
      %mul3A_248 = vector.broadcast %mul3A_247 : f32 to vector<16xf32>
      %mul3A_249 = arith.mulf %gather3A_242, %mul3A_248 : vector<16xf32>
      tpu.vector_store_idx %arg6[%broadcast_in_dim3A_213, %mul3A_246], %mul3A_249 : memref<2x26026xf32, #tpu.memory_space<vmem>>[vector<16xi32>, vector<16xi32>], vector<16xf32>,
      %add3A_250 = arith.constant 1 : i32
      %add3A_251 = vector.broadcast %add3A_250 : i32 to vector<16xi32>
      %add3A_252 = arith.addi %mul3A_246, %add3A_251 : vector<16xi32>
      %add3A_253 = arith.addi %add3A_252, %convert_element_type3A_243 : vector<16xi32>
      %broadcast_in_dim3A_254 = arith.constant 1.000000e+00 : f32
      %broadcast_in_dim3A_255 = vector.broadcast %broadcast_in_dim3A_254 : f32 to vector<16xf32>
      tpu.vector_store_idx %arg6[%broadcast_in_dim3A_213, %add3A_253], %broadcast_in_dim3A_255 : memref<2x26026xf32, #tpu.memory_space<vmem>>[vector<16xi32>, vector<16xi32>], vector<16xf32>,
      %mul3A_256 = arith.constant 2 : i32
      %mul3A_257 = arith.muli %add3A_154, %mul3A_256 : i32
      %add3A_258 = arith.addi %mul3A_25, %mul3A_257 : i32
      %dma_start3A_259 = arith.constant 0 : i32
      %dma_start3A_260 = tpu.memref_slice %arg3[%add3A_258, %dma_start3A_259] : memref<4096x26026xf32, #tpu.memory_space<hbm>> -> memref<2x26026xf32, #tpu.memory_space<hbm>>
      %dma_start3A_261 = arith.constant 0 : i32
      %dma_start3A_262 = tpu.memref_slice %arg3[%add3A_258, %dma_start3A_261] : memref<4096x26026xf32, #tpu.memory_space<hbm>> -> memref<2x26026xf32, #tpu.memory_space<hbm>>
      tpu.enqueue_dma source(%arg6 : memref<2x26026xf32, #tpu.memory_space<vmem>>) target(%dma_start3A_262 : memref<2x26026xf32, #tpu.memory_space<hbm>>) target_semaphore(%arg8 : memref<!tpu.dma_semaphore, #tpu.memory_space<semaphore_mem>>)
    }
    %scan3A_31 = arith.constant 32 : i32
    %add3A_32 = arith.constant 124 : i32
    %add3A_33 = arith.addi %mul3A_25, %add3A_32 : i32
    %dma_wait3A = arith.constant 0 : i32
    %dma_wait3A_34 = tpu.memref_slice %arg3[%add3A_33, %dma_wait3A] : memref<4096x26026xf32, #tpu.memory_space<hbm>> -> memref<2x26026xf32, #tpu.memory_space<hbm>>
    %dma_wait3A_35 = arith.constant 0 : i32
    %dma_wait3A_36 = tpu.memref_slice %arg3[%add3A_33, %dma_wait3A_35] : memref<4096x26026xf32, #tpu.memory_space<hbm>> -> memref<2x26026xf32, #tpu.memory_space<hbm>>
    tpu.wait_dma2 semaphore(%arg7 : memref<!tpu.dma_semaphore, #tpu.memory_space<semaphore_mem>>) src(%arg5 : memref<2x26026xf32, #tpu.memory_space<vmem>>) dst(%dma_wait3A_36 : memref<2x26026xf32, #tpu.memory_space<hbm>>)
    %add3A_37 = arith.constant 126 : i32
    %add3A_38 = arith.addi %mul3A_25, %add3A_37 : i32
    %dma_wait3A_39 = arith.constant 0 : i32
    %dma_wait3A_40 = tpu.memref_slice %arg3[%add3A_38, %dma_wait3A_39] : memref<4096x26026xf32, #tpu.memory_space<hbm>> -> memref<2x26026xf32, #tpu.memory_space<hbm>>
    %dma_wait3A_41 = arith.constant 0 : i32
    %dma_wait3A_42 = tpu.memref_slice %arg3[%add3A_38, %dma_wait3A_41] : memref<4096x26026xf32, #tpu.memory_space<hbm>> -> memref<2x26026xf32, #tpu.memory_space<hbm>>
    tpu.wait_dma2 semaphore(%arg8 : memref<!tpu.dma_semaphore, #tpu.memory_space<semaphore_mem>>) src(%arg6 : memref<2x26026xf32, #tpu.memory_space<vmem>>) dst(%dma_wait3A_42 : memref<2x26026xf32, #tpu.memory_space<hbm>>)
    return
  }
}

</mosaic_0001>

<sc_bundles>
// kernel: kernel.3.cloned.1.call-start
scs
__scs_entry_jumppad:
0x0: {  	(pc) =	sbr.rel $0x88, $3  }
0x1: {  	(tag) =	ssettag $0x0;
	lr =	simm.s32 $0x1  }
0x2: {  	[smem:$0x3FA0] =	sst lr;
	_ =	strace $0xD0000000  }
0x3: {  	_ = 	snop  }
0x4: {  	_ = 	snop  }
0x5: {  	_ = 	snop  }
0x6: {  	_ = 	snop  }
0x7: {  	_ = 	snop  }
__scs_overlays_trampoline_lowered:
0x8: {  	[smem:$0x3FAF] =	sst s0  }
0x9: {  	[smem:$0x3FB0] =	sst s1  }
0xa: {  	[smem:$0x3FB1] =	sst s2  }
0xb: {  	[smem:$0x3FB2] =	sst s3  }
0xc: {  	[smem:$0x3FB3] =	sst s4  }
0xd: {  	[smem:$0x3FB4] =	sst s5  }
0xe: {  	[smem:$0x3FB5] =	sst s6  }
0xf: {  	[smem:$0x3FB6] =	sst s7  }
0x10: {  	[smem:$0x3FB7] =	sst s8  }
0x11: {  	[smem:$0x3FB8] =	sst s9;
	s0 =	simm.s32 @!p0 $0x0  }
0x12: {  	s1 =	sld [smem:$0x3F9E];
	s0 =	simm.s32 @p0 $0x1  }
0x13: {  	[smem:$0x3FB9] =	sst s0;
	s0 =	simm.s32 @!p1 $0x0  }
0x14: {  	s2 =	sld [smem:$0x3F9D];
	s0 =	simm.s32 @p1 $0x1  }
0x15: {  	[smem:$0x3FBA] =	sst s0;
	s0 =	simm.s32 @!p2 $0x0  }
0x16: {  	s3 =	sld [smem:$0x3FDB];
	s0 =	simm.s32 @p2 $0x1  }
0x17: {  	s4 =	simm.s32 $0x1BF5;
	[smem:$0x3FBC] =	sst s0  }
0x18: {  	s0 =	sld [smem:$0x3F9F];
	_ =	swait.ge [sflag:s4], $0x0  }
0x19: {  	s7 =	sld [smem:$0x3FA0]  }
0x1a: {  	s8 =	sadd.s32 $0xFFFFE003, lr  }
0x1b: {  	s9 =	sadd.s32 $0xFFFFFEF7, lr;
	s5 =	simm.s32 $0xFFFFFFFF;
	p2 =	slt.u32 s8, $0xFFFFF086  }
0x1c: {  	p1 =	slt.u32 s9, $0xF7A;
	s5 =	simm.s32 @!p2 $0x0  }
0x1d: {  	s5 =	simm.s32 @p1 $0x1;
	p0 =	seq.s32 s7, s2  }
0x1e: {  	s7 =	smul.u32 @!p0 $0xF7A, s2;
	p2 =	seq.s32 @!p0 s5, $0x0  }
0x1f: {  	s9 =	smul.u32 $0xF7A, s1;
	s8 =	simm.s32 @!p0 $0x1BF5;
	p2 =	por !p2, p0  }
0x20: {  	[sflag:s8] =	ssyncset.s32 @!p0 $0xFFFFF086;
	s6 =	sadd.s32 @!p0 s3, s7;
	s7 =	simm.s32 @!p0 $0x108  }
0x21: {  	s3 =	sadd.s32 s3, s9;
	s6 =	sadd.s32 @!p0 $0x88, s6;
	s7 =	simm.s32 @p2 $0x1082  }
0x22: {  	[simem:s7], [sflag:s8] =	dma.local @!p0 [hbm:s6], $0xF7A  }
0x23: {  	s9 =	sor.u32 $0xD0000000, s2;
	s6 =	simm.s32 $0x108;
	_ =	swait.ge @!p0 [sflag:s8], $0x0  }
0x24: {  	s3 =	sadd.s32 $0x88, s3;
	s6 =	simm.s32 @!p1 $0x1082;
	[sflag:s4] =	ssyncset.s32 $0xFFFFF086  }
0x25: {  	[simem:s6], [sflag:s4] =	dma.local [hbm:s3], $0xF7A  }
0x26: {  	[smem:$0x3FA0] =	sst s1;
	(tag) =	ssettag s2;
	_ =	strace s9  }
0x27: {  	s1 =	sld [smem:$0x3FB0]  }
0x28: {  	s2 =	sld [smem:$0x3FB1]  }
0x29: {  	s4 =	sld [smem:$0x3FB3]  }
0x2a: {  	p0 =	seq.s32 s5, $0x0;
	s5 =	sld [smem:$0x3FB4]  }
0x2b: {  	s6 =	sld [smem:$0x3FB5]  }
0x2c: {  	s7 =	sld [smem:$0x3FB6]  }
0x2d: {  	s3 =	simm.s32 $0x108;
	s8 =	sld [smem:$0x3FB7]  }
0x2e: {  	s3 =	simm.s32 @!p0 $0x1082;
	s9 =	sld [smem:$0x3FB8]  }
0x2f: {  	lr =	sadd.s32 s0, s3;
	s0 =	sld [smem:$0x3FAF]  }
0x30: {  	s3 =	sld [smem:$0x3FB2]  }
0x31: {  	[smem:$0x3FBB] =	sst s10  }
0x32: {  	s10 =	sld [smem:$0x3FB9];
	_ =	sdelay $0x3  }
0x33: {  	p0 =	seq.s32 s10, $0x1;
	s10 =	sld [smem:$0x3FBB];
	_ =	sdelay $0x3  }
0x34: {  	[smem:$0x3FBB] =	sst s10  }
0x35: {  	s10 =	sld [smem:$0x3FBA];
	_ =	sdelay $0x3  }
0x36: {  	p1 =	seq.s32 s10, $0x1;
	s10 =	sld [smem:$0x3FBB];
	_ =	sdelay $0x3  }
0x37: {  	[smem:$0x3FBB] =	sst s10  }
0x38: {  	s10 =	sld [smem:$0x3FBC]  }
0x39: {  	_ = 	snop;
	(pc) =	sbr.ind lr, $3  }
0x3a: {  	_ = 	snop  }
0x3b: {  	_ = 	snop  }
0x3c: {  	p2 =	seq.s32 s10, $0x1;
	s10 =	sld [smem:$0x3FBB]  }
0x3d: {  	_ =	shalt  }
0x3e: {  	_ =	shalt  }
0x3f: {  	_ =	shalt  }
0x40: {  	_ =	shalt  }
0x41: {  	_ =	shalt  }
0x42: {  	_ =	shalt  }
0x43: {  	_ =	shalt  }
0x44: {  	_ =	shalt  }
0x45: {  	_ =	shalt  }
0x46: {  	_ =	shalt  }
0x47: {  	_ =	shalt  }
0x48: {  	_ =	shalt  }
0x49: {  	_ =	shalt  }
0x4a: {  	_ =	shalt  }
0x4b: {  	_ =	shalt  }
0x4c: {  	_ =	shalt  }
0x4d: {  	_ =	shalt  }
0x4e: {  	_ =	shalt  }
0x4f: {  	_ =	shalt  }
0x50: {  	_ =	shalt  }
0x51: {  	_ =	shalt  }
0x52: {  	_ =	shalt  }
0x53: {  	_ =	shalt  }
0x54: {  	_ =	shalt  }
0x55: {  	_ =	shalt  }
0x56: {  	_ =	shalt  }
0x57: {  	_ =	shalt  }
0x58: {  	_ =	shalt  }
0x59: {  	_ =	shalt  }
0x5a: {  	_ =	shalt  }
0x5b: {  	_ =	shalt  }
0x5c: {  	_ =	shalt  }
0x5d: {  	_ =	shalt  }
0x5e: {  	_ =	shalt  }
0x5f: {  	_ =	shalt  }
0x60: {  	_ =	shalt  }
0x61: {  	_ =	shalt  }
0x62: {  	_ =	shalt  }
0x63: {  	_ =	shalt  }
0x64: {  	_ =	shalt  }
0x65: {  	_ =	shalt  }
0x66: {  	_ =	shalt  }
0x67: {  	_ =	shalt  }
0x68: {  	_ =	shalt  }
0x69: {  	_ =	shalt  }
0x6a: {  	_ =	shalt  }
0x6b: {  	_ =	shalt  }
0x6c: {  	_ =	shalt  }
0x6d: {  	_ =	shalt  }
0x6e: {  	_ =	shalt  }
0x6f: {  	_ =	shalt  }
0x70: {  	_ =	shalt  }
0x71: {  	_ =	shalt  }
0x72: {  	_ =	shalt  }
0x73: {  	_ =	shalt  }
0x74: {  	_ =	shalt  }
0x75: {  	_ =	shalt  }
0x76: {  	_ =	shalt  }
0x77: {  	_ =	shalt  }
0x78: {  	_ =	shalt  }
0x79: {  	_ =	shalt  }
0x7a: {  	_ =	shalt  }
0x7b: {  	_ =	shalt  }
0x7c: {  	_ =	shalt  }
0x7d: {  	_ =	shalt  }
0x7e: {  	_ =	shalt  }
0x7f: {  	_ =	shalt  }
0x80: {  	_ =	shalt  }
0x81: {  	_ =	shalt  }
0x82: {  	_ =	shalt  }
0x83: {  	_ =	shalt  }
0x84: {  	_ =	shalt  }
0x85: {  	_ =	shalt  }
0x86: {  	_ =	shalt  }
0x87: {  	_ =	shalt  }
.Lfunc_end0:
.L_simem_size_0:
called_computation_lowered:
.L_overlay_start_0:
0x88: {  	s2 =	sld [smem:$0x3FD9]  }
0x89: {  	s3 =	sld [smem:$0x3FFE];
	_ =	sdelay $0x1  }
0x8a: {  	s1 =	srdreg.scid  }
0x8b: {  	s0 =	sand.u32 $0x1, s1  }
0x8c: {  	s17 =	sshll.u32 s0, $0xA;
	s2 =	sadd.s32 s3, s2  }
0x8d: {  	s2 =	sadd.s32 s2, s17  }
0x8e: {  	[smem:$0x3FC7] =	sst s2  }
0x8f: {  	_ = 	snop  }
0x90: {  	s2 =	sld [smem:$0x3FD0];
	(tm) =	ssettm $0x1  }
0x91: {  	s18 =	sld [smem:$0x3FFB];
	_ =	sdelay $0x3  }
0x92: {  	_ =	strace s18  }
0x93: {  	s3 =	sld [smem:$0x3FFC];
	_ =	sdelay $0x3  }
0x94: {  	_ =	strace s3  }
0x95: {  	s3 =	sld [smem:$0x3FFD];
	_ =	sdelay $0x3  }
0x96: {  	_ =	strace s3  }
0x97: {  	_ =	strace $0x8FFFFFFF  }
0x98: {  	s19 =	sld [smem:$0x3FDB];
	_ =	sdelay $0x1  }
0x99: {  	s4 =	simm.s32 $_scs_section_size  }
0x9a: {  	s5 =	simm.s32 $_size__tile_overlayer_lowered;
	s6 =	simm.s32 $_tile_overlayer_lowered  }
0x9b: {  	s22 =	simm.s32 $0x1BFF;
	s21 =	sshll.u32 s6, $0x1;
	s3 =	sadd.s32 s4, s19  }
0x9c: {  	s7 =	simm.s32 $0x0;
	s20 =	sshll.u32 s5, $0x1;
	s5 =	sadd.s32 s21, s3  }
0x9d: {  	[timem:s7], [sflag:s22] =	dma.local [hbm:s5], s20  }
0x9e: {  	_ =	swait.ge [sflag:s22], s20  }
0x9f: {  	s4 =	ssub.s32 $0x0, s20;
	[sflag:s22] =	ssyncset.done $0x0  }
0xa0: {  	[sflag:s22] =	ssyncadd.s32 s4;
	_ =	sdelay $0x1  }
0xa1: {  	s23 =	simm.s32 $0x1B8B  }
0xa2: {  	_ =	swait.ge [sflag:s23], $0x1  }
0xa3: {  	[sflag:s23] =	ssyncset.done $0x0  }
0xa4: {  	s25 =	simm.s32 $0x1B8E;
	s24 =	sld [smem:$0x3FFE];
	[sflag:s23] =	ssyncadd.s32 $0xFFFFFFFF  }
0xa5: {  	s26 =	simm.s32 $execute0_lowered;
	[smem:$0x3FD2] =	sst s25  }
0xa6: {  	s5 =	sshll.u32 s26, $0x1;
	_ =	strace $0x80000046;
	[dreg:$0x1] =	wrdreg $0xFFFFFFFF  }
0xa7: {  	s28 =	simm.s32 $_size_execute0_lowered;
	s3 =	sadd.s32 s3, s5;
	[dreg:$0x0] =	wrdreg $0x0  }
0xa8: {  	s5 =	sshll.u32 s28, $0x1;
	[dreg:$0x2] =	wrdreg s3  }
0xa9: {  	[dreg:$0x3] =	wrdreg s5  }
0xaa: {  	[dreg:$0x4] =	wrdreg $0xC0  }
0xab: {  	_ =	task [dreg:s7], $0x5FFFF  }
0xac: {  	[dreg:$0x1] =	wrdreg $0xFFFFFFFF  }
0xad: {  	[dreg:$0x0] =	wrdreg $0x60  }
0xae: {  	[dreg:$0x2] =	wrdreg s2  }
0xaf: {  	[dreg:$0x3] =	wrdreg s24  }
0xb0: {  	[dreg:$0x4] =	wrdreg $0x9  }
0xb1: {  	_ =	task.clear_ibuf [dreg:s7], $0x5FFFF;
	_ =	strace $0x90000046  }
0xb2: {  	s29 =	simm.s32 $0x9;
	_ =	strace $0x80000048  }
0xb3: {  	_ =	swait.ge [sflag:s29], $0x1  }
0xb4: {  	[sflag:s29] =	ssyncadd.s32 $0xFFFFFFFF  }
0xb5: {  	_ =	strace $0x90000048  }
0xb6: {  	_ =	sfence  }
0xb7: {  	s30 =	sld [smem:$0x0];
	_ =	sdelay $0x2  }
0xb8: {  	s31 =	sshll.u32 s1, $0xD;
	s1 =	sshrl.u32 s1, $0x2  }
0xb9: {  	s3 =	sand.u32 $0x4000, s31;
	s1 =	sadd.s32 s1, s30  }
0xba: {  	s0 =	sor.u32 s3, s0;
	s1 =	sshll.u32 s1, $0x11  }
0xbb: {  	s0 =	sor.u32 s1, s0  }
0xbc: {  	s0 =	sadd.s32 $0x8F2B, s0  }
0xbd: {  	[sflag:s0] =	ssyncadd.remote.s32 $0x1  }
0xbe: {  	_ =	sfence.sel $0xFFFF  }
0xbf: {  	[dreg:$0x0] =	wrdreg $0xFFFFFFFF;
	(pc) =	sbr.abs _section_cstart, $3  }
0xc0: {  	[dreg:$0x1] =	wrdreg $0xFFFFFFFF  }
0xc1: {  	_ =	task.clear_ibuf [dreg:s7], $0x2FFFF;
	_ =	strace $0x9FFFFFFF  }
0xc2: {  	(tm) =	ssettm $0x7FFFFFFF  }
0xc3: {  	_ =	shalt  }
tec
execute0_lowered:
.L_overlay_start_1:
0x0: {  	(tag) =	ssettag $0x1  }
0x1: {  	vm13 =	vcmask $0x300;
	v0 =	vimm.s32 $0x7527  }
0x2: {  	vm14 =	vcmask $0x704;
	vm12 =	vcmask $0xB08;
	vm11 =	vcmask $0xF0C  }
0x3: {  	vm10 =	vcmask $0x1310;
	vm9 =	vcmask $0x1714;
	vm8 =	vcmask $0x1B18  }
0x4: {  	vm7 =	vcmask $0x1F1C;
	vm6 =	vcmask $0x2320;
	vm5 =	vcmask $0x2724  }
0x5: {  	vm4 =	vcmask $0x2B28;
	vm3 =	vcmask $0x2F2C;
	vm2 =	vcmask $0x3330  }
0x6: {  	vm1 =	vcmask $0x3734;
	vm0 =	vcmask $0x3B38;
	v4 =	vimm.f32 $1.000000000e+00  }
0x7: {  	v6 =	vimm.s32 $0xC341;
	v8 =	vimm.s32 $0x75A7;
	v9 =	vimm.s32 $0xC3C1  }
0x8: {  	v0 =	vsel vm13, $0x0, v0;
	v6 =	vsel vm13, $0x4E1A, v6;
	v8 =	vsel vm13, $0x80, v8  }
0x9: {  	v9 =	vsel vm13, $0x4E9A, v9;
	v0 =	vsel vm14, $0x769, v0;
	v6 =	vsel vm14, $0x5603, v6  }
0xa: {  	v8 =	vsel vm14, $0x7E9, v8;
	v9 =	vsel vm14, $0x5683, v9;
	v0 =	vsel vm12, $0xF52, v0  }
0xb: {  	v6 =	vsel vm12, $0x5D6C, v6;
	v8 =	vsel vm12, $0xFD2, v8;
	v9 =	vsel vm12, $0x5DEC, v9  }
0xc: {  	v0 =	vsel vm11, $0x173B, v0;
	v6 =	vsel vm11, $0x6555, v6;
	v8 =	vsel vm11, $0x17BB, v8  }
0xd: {  	v9 =	vsel vm11, $0x65D5, v9;
	v0 =	vsel vm10, $0x1F24, v0;
	v6 =	vsel vm10, $0x6D3E, v6  }
0xe: {  	v8 =	vsel vm10, $0x1FA4, v8;
	v9 =	vsel vm10, $0x6DBE, v9;
	v0 =	vsel vm9, $0x270D, v0  }
0xf: {  	v6 =	vsel vm9, $0x7527, v6;
	v8 =	vsel vm9, $0x278D, v8;
	v9 =	vsel vm9, $0x75A7, v9  }
0x10: {  	v0 =	vsel vm8, $0x2E76, v0;
	v6 =	vsel vm8, $0x7D10, v6;
	v8 =	vsel vm8, $0x2EF6, v8  }
0x11: {  	v9 =	vsel vm8, $0x7D90, v9;
	v0 =	vsel vm7, $0x365F, v0;
	v6 =	vsel vm7, $0x8479, v6  }
0x12: {  	v8 =	vsel vm7, $0x36DF, v8;
	v9 =	vsel vm7, $0x84F9, v9;
	v0 =	vsel vm6, $0x3E48, v0  }
0x13: {  	v6 =	vsel vm6, $0x8C62, v6;
	v8 =	vsel vm6, $0x3EC8, v8;
	v9 =	vsel vm6, $0x8CE2, v9  }
0x14: {  	s4 =	rddreg [dreg:$0x0];
	s1 =	srdreg.scid;
	v0 =	vsel vm5, $0x4631, v0;
	v6 =	vsel vm5, $0x944B, v6;
	v8 =	vsel vm5, $0x46B1, v8  }
0x15: {  	s0 =	stileid.u32;
	s3 =	rddreg [dreg:$0x1];
	s2 =	simm.s32 $0x0;
	v9 =	vsel vm5, $0x94CB, v9;
	v1 =	vsel vm4, $0x4E1A, v0;
	v0 =	vlaneseq.u32  }
0x16: {  	s9 =	simm.s32 $0x100;
	s10 =	simm.s32 $0x400;
	s11 =	simm.s32 $0xD900;
	v6 =	vsel vm4, $0x9C34, v6;
	v8 =	vsel vm4, $0x4E9A, v8;
	v9 =	vsel vm4, $0x9CB4, v9  }
0x17: {  	s12 =	simm.s32 $0x1;
	s13 =	simm.s32 $0x2;
	s14 =	simm.s32 $0x0;
	v1 =	vsel vm3, $0x5603, v1;
	v7 =	vmul.u32 $0x3E9, v0;
	v5 =	vadd.s32 $0xA, v0  }
0x18: {  	s6 =	sand.u32 $0x1, s1;
	s5 =	sshll.u32 s0, $0x1;
	s1 =	rddreg [dreg:$0x2];
	v6 =	vsel vm3, $0xA41D, v6;
	v8 =	vsel vm3, $0x5683, v8;
	v9 =	vsel vm3, $0xA49D, v9  }
0x19: {  	[smem:$0x7FF] =	sst s2;
	s3 =	sadd.s32 $0x400, s3;
	s31 =	sshll.u32 s0, $0x8;
	v1 =	vsel vm2, $0x5D6C, v1;
	v6 =	vsel vm2, $0xAC06, v6;
	v8 =	vsel vm2, $0x5DEC, v8  }
0x1a: {  	s5 =	sor.u32 s6, s5;
	s7 =	ssub.s32 $0x2, s6;
	_ =	strace $0x80000047;
	v9 =	vsel vm2, $0xAC86, v9;
	v2 =	vsel vm1, $0x6555, v1;
	v1 =	vimm.f32 $0.0e+00  }
0x1b: {  	s6 =	sshll.u32 s6, $0x7;
	s5 =	smul.u32 $0x1A0, s5;
	s8 =	sshrl.u32 s7, $0x1;
	v3 =	vadd.s32 $0x1, v7;
	v6 =	vsel vm1, $0xB36F, v6;
	v8 =	vsel vm1, $0x65D5, v8  }
0x1c: {  	s6 =	sor.u32 s6, s31;
	s7 =	ssub.s32 s7, s8;
	s8 =	simm.s32 $0xD00;
	v9 =	vsel vm1, $0xB3EF, v9;
	v7 =	vadd.s32 $0x271B, v7;
	v2 =	vsel vm0, $0x6D3E, v2  }
0x1d: {  	s4 =	sadd.s32 s4, s5;
	s5 =	smax.u32 s7, $0x1;
	s7 =	simm.s32 $0x3;
	v6 =	vsel vm0, $0xBB58, v6;
	v8 =	vsel vm0, $0x6DBE, v8;
	v9 =	vsel vm0, $0xBBD8, v9  }
.LBB2_1:
0x1e: {  	[tilespmem:s2], [sflag:$0x3] =	stream.linear.gather [hbm4b:s4+s2], $0xD00, $0x38;
	[tilespmem:$0x1A500] =	vst v63  }
0x1f: {  	_ =	swait.ge [sflag:s7], $0xD00  }
0x20: {  	s15 =	sand.u32 $0x70, s2;
	s16 =	sand.u32 $0xFF00, s2;
	[sflag:s7] =	ssyncset.done $0x0  }
0x21: {  	s17 =	sor.u32 s15, s16;
	[sflag:s7] =	ssyncadd.s32 $0xFFFFF300  }
0x22: {  	[tilespmem:s17+$0xD980] =	vst v1  }
0x23: {  	[tilespmem:s17+$0xD00] =	vst v1  }
0x24: {  	s15 =	simm.s32 $0x10;
	s16 =	simm.s32 $0x0;
	[tilespmem:s17+$0xD80] =	vst v1  }
.LBB2_2:
0x25: {  	s18 =	sand.u32 $0x70, s15;
	[tilespmem:s17+$0xD900] =	vst v1;
	s16 =	sadd.s32 $0x20, s16;
	p0 =	sne.s32 s15, $0x6590  }
.Ltmp0:
0x26: {  	s15 =	sadd.s32 $0x10, s15;
	s17 =	sand.u32 $0xFF00, s16;
	(pc) =	sbr.rel @p0 .LBB2_2-.Ltmp0, $4  }
0x27: {  	s17 =	sor.u32 s18, s17  }
0x28: {  	[tilespmem:s17+$0xD980] =	vst v1  }
0x29: {  	[tilespmem:s17+$0xD00] =	vst v1  }
0x2a: {  	[tilespmem:s17+$0xD80] =	vst v1  }
0x2b: {  	[tilespmem:s17+$0xD900] =	vst v1  }
0x2c: {  	[tilespmem:$0xD81A] =	vst v1  }
0x2d: {  	[tilespmem:$0xD89A] =	vst v1  }
0x2e: {  	[tilespmem:$0x1A41A] =	vst v1  }
0x2f: {  	s15 =	simm.s32 $0x0;
	s16 =	smov.u32 s6;
	s17 =	simm.s32 $0x0;
	[tilespmem:$0x1A49A] =	vst v1  }
.LBB2_4:
0x30: {  	p0 =	seq.s32 s15, $0x0  }
0x31: {  	s18 =	sadd.s32 @!p0 $0xFFFFFF98, s15  }
0x32: {  	v10 =	vadd.s32 @!p0 s18, v0;
	_ =	sdelay $0x1  }
0x33: {  	_ =	swait.ge @!p0 [sflag:s12], $0xCC00  }
0x34: {  	[sflag:s12] =	ssyncset.done @!p0 $0x0  }
0x35: {  	[sflag:s12] =	ssyncadd.s32 @!p0 $0xFFFF3400  }
0x36: {  	v10 =	vld.idx.msk @!p0 [tilespmem:v10+s2+$0x0], $0xffff;
	_ =	sdelay $0x4  }
0x37: {  	v11 =	vtrunc.f32 @!p0 v10  }
0x38: {  	v11 =	vcvt.f32.s32 @!p0 v11;
	_ =	sdelay $0x1  }
0x39: {  	v11 =	vadd.s32 @!p0 v3, v11  }
0x3a: {  	v12 =	vshll.u32 @!p0 v11, $0x1  }
0x3b: {  	v11 =	vand.u32 @!p0 $0x7F, v11;
	v12 =	vand.u32 @!p0 $0xFFFFFF00, v12  }
0x3c: {  	v11 =	vor.u32 @!p0 v11, v12  }
0x3d: {  	v12 =	vadd.s32 @!p0 s18, v5  }
0x3e: {  	v10 =	vmul.f32 @!p0 $0.0e+00, v10;
	_ =	sdelay $0x1  }
0x3f: {  	[tilespmem:v2+s8+$0x0] =	vst.idx.msk @!p0 $0xffff, v10  }
0x40: {  	[tilespmem:v11+s8+$0x0] =	vst.idx.msk @!p0 $0xffff, v1  }
0x41: {  	v10 =	vld.idx.msk @!p0 [tilespmem:v12+s2+$0x0], $0xffff;
	_ =	sdelay $0x4  }
0x42: {  	v11 =	vtrunc.f32 @!p0 v10  }
0x43: {  	v11 =	vcvt.f32.s32 @!p0 v11;
	_ =	sdelay $0x1  }
0x44: {  	v11 =	vadd.s32 @!p0 v7, v11  }
0x45: {  	v12 =	vshll.u32 @!p0 v11, $0x1  }
0x46: {  	v11 =	vand.u32 @!p0 $0x7F, v11;
	v12 =	vand.u32 @!p0 $0xFFFFFF00, v12  }
0x47: {  	s18 =	sadd.s32 @!p0 $0xFFFFFFB2, s15;
	v11 =	vor.u32 @!p0 v11, v12  }
0x48: {  	v12 =	vadd.s32 @!p0 s18, v0  }
0x49: {  	v10 =	vmul.f32 @!p0 $0.0e+00, v10;
	_ =	sdelay $0x1  }
0x4a: {  	[tilespmem:v6+s8+$0x0] =	vst.idx.msk @!p0 $0xffff, v10  }
0x4b: {  	[tilespmem:v11+s8+$0x0] =	vst.idx.msk @!p0 $0xffff, v1  }
0x4c: {  	v10 =	vld.idx.msk @!p0 [tilespmem:v12+s2+$0x0], $0xffff;
	_ =	sdelay $0x4  }
0x4d: {  	v11 =	vtrunc.f32 @!p0 v10  }
0x4e: {  	v11 =	vcvt.f32.s32 @!p0 v11;
	_ =	sdelay $0x1  }
0x4f: {  	v11 =	vadd.s32 @!p0 v3, v11  }
0x50: {  	v12 =	vshll.u32 @!p0 v11, $0x1  }
0x51: {  	v11 =	vand.u32 @!p0 $0x7F, v11;
	v12 =	vand.u32 @!p0 $0xFFFFFF00, v12  }
0x52: {  	v11 =	vor.u32 @!p0 v12, v11  }
0x53: {  	v11 =	vor.u32 @!p0 $0x80, v11  }
0x54: {  	v12 =	vadd.s32 @!p0 s18, v5  }
0x55: {  	v10 =	vmul.f32 @!p0 $0.0e+00, v10;
	_ =	sdelay $0x1  }
0x56: {  	[tilespmem:v8+s8+$0x0] =	vst.idx.msk @!p0 $0xffff, v10  }
0x57: {  	[tilespmem:v11+s8+$0x0] =	vst.idx.msk @!p0 $0xffff, v1  }
0x58: {  	v10 =	vld.idx.msk @!p0 [tilespmem:v12+s2+$0x0], $0xffff;
	_ =	sdelay $0x4  }
0x59: {  	v11 =	vtrunc.f32 @!p0 v10  }
0x5a: {  	v11 =	vcvt.f32.s32 @!p0 v11;
	_ =	sdelay $0x1  }
0x5b: {  	v11 =	vadd.s32 @!p0 v7, v11  }
0x5c: {  	v12 =	vshll.u32 @!p0 v11, $0x1  }
0x5d: {  	v11 =	vand.u32 @!p0 $0x7F, v11;
	v12 =	vand.u32 @!p0 $0xFFFFFF00, v12  }
0x5e: {  	s19 =	simm.s32 $0x0;
	v10 =	vmul.f32 @!p0 $0.0e+00, v10;
	v11 =	vor.u32 @!p0 v12, v11  }
0x5f: {  	s19 =	smov.u32 @!p0 s15;
	v11 =	vor.u32 @!p0 $0x80, v11  }
0x60: {  	[tilespmem:v9+s8+$0x0] =	vst.idx.msk @!p0 $0xffff, v10;
	v10 =	vadd.s32 s19, v0;
	_ =	sdelay $0x3  }
0x61: {  	[tilespmem:v11+s8+$0x0] =	vst.idx.msk @!p0 $0xffff, v1  }
0x62: {  	v10 =	vld.idx.msk [tilespmem:v10+s2+$0x0], $0xffff;
	_ =	sdelay $0x4  }
0x63: {  	v11 =	vtrunc.f32 v10  }
0x64: {  	v11 =	vcvt.f32.s32 v11;
	_ =	sdelay $0x1  }
0x65: {  	v11 =	vadd.s32 v3, v11  }
0x66: {  	v50 =	vshll.u32 v11, $0x1  }
0x67: {  	v11 =	vand.u32 $0x7F, v11;
	v12 =	vand.u32 $0xFFFFFF00, v50  }
0x68: {  	v11 =	vor.u32 v11, v12  }
0x69: {  	v51 =	vadd.s32 s19, v5;
	_ =	sdelay $0x2  }
0x6a: {  	[tilespmem:v2+s8+$0x0] =	vst.idx.msk $0xffff, v10  }
0x6b: {  	[tilespmem:v11+s8+$0x0] =	vst.idx.msk $0xffff, v4  }
0x6c: {  	v10 =	vld.idx.msk [tilespmem:v51+s2+$0x0], $0xffff;
	_ =	sdelay $0x4  }
0x6d: {  	v11 =	vtrunc.f32 v10  }
0x6e: {  	v11 =	vcvt.f32.s32 v11;
	_ =	sdelay $0x1  }
0x6f: {  	v11 =	vadd.s32 v7, v11  }
0x70: {  	v52 =	vshll.u32 v11, $0x1  }
0x71: {  	v11 =	vand.u32 $0x7F, v11;
	v12 =	vand.u32 $0xFFFFFF00, v52  }
0x72: {  	s26 =	sadd.s32 $0x1A, s19;
	v11 =	vor.u32 v11, v12  }
0x73: {  	v53 =	vadd.s32 s26, v0;
	_ =	sdelay $0x2  }
0x74: {  	[tilespmem:v6+s8+$0x0] =	vst.idx.msk $0xffff, v10  }
0x75: {  	[tilespmem:v11+s8+$0x0] =	vst.idx.msk $0xffff, v4  }
0x76: {  	v10 =	vld.idx.msk [tilespmem:v53+s2+$0x0], $0xffff;
	_ =	sdelay $0x4  }
0x77: {  	v11 =	vtrunc.f32 v10  }
0x78: {  	v11 =	vcvt.f32.s32 v11;
	_ =	sdelay $0x1  }
0x79: {  	v11 =	vadd.s32 v3, v11  }
0x7a: {  	v54 =	vshll.u32 v11, $0x1  }
0x7b: {  	v11 =	vand.u32 $0x7F, v11;
	v12 =	vand.u32 $0xFFFFFF00, v54  }
0x7c: {  	v11 =	vor.u32 v12, v11  }
0x7d: {  	v11 =	vor.u32 $0x80, v11  }
0x7e: {  	v55 =	vadd.s32 s26, v5;
	_ =	sdelay $0x2  }
0x7f: {  	[tilespmem:v8+s8+$0x0] =	vst.idx.msk $0xffff, v10  }
0x80: {  	[tilespmem:v11+s8+$0x0] =	vst.idx.msk $0xffff, v4  }
0x81: {  	v10 =	vld.idx.msk [tilespmem:v55+s2+$0x0], $0xffff;
	_ =	sdelay $0x4  }
0x82: {  	v11 =	vtrunc.f32 v10  }
0x83: {  	v11 =	vcvt.f32.s32 v11;
	_ =	sdelay $0x1  }
0x84: {  	v11 =	vadd.s32 v7, v11  }
0x85: {  	v56 =	vshll.u32 v11, $0x1  }
0x86: {  	v11 =	vand.u32 $0x7F, v11;
	v12 =	vand.u32 $0xFFFFFF00, v56  }
0x87: {  	v11 =	vor.u32 v12, v11  }
0x88: {  	s28 =	sshrl.u32 s16, $0x3;
	v11 =	vor.u32 $0x80, v11  }
0x89: {  	s18 =	smul.u32 $0x33000, s28  }
0x8a: {  	s20 =	sand.u32 $0x200, s17  }
0x8b: {  	s20 =	sor.u32 s20, s18  }
0x8c: {  	s20 =	sshrl.u32 s20, $0x3;
	[tilespmem:v9+s8+$0x0] =	vst.idx.msk $0xffff, v10  }
0x8d: {  	s20 =	sadd.s32 s3, s20;
	[tilespmem:v11+s8+$0x0] =	vst.idx.msk $0xffff, v4  }
0x8e: {  	[hbm4b:s20+s9] =	stream.strided.scatter [tilespmem:s8], [sflag:$0x1], $0xCC00, s10, s9, $0x38;
	[tilespmem:$0x1A500] =	vst v63  }
0x8f: {  	s20 =	sadd.s32 @!p0 $0xFFFFFFCC, s19  }
0x90: {  	v10 =	vadd.s32 @!p0 s20, v0;
	_ =	sdelay $0x1  }
0x91: {  	_ =	swait.ge @!p0 [sflag:s13], $0xCC00  }
0x92: {  	[sflag:s13] =	ssyncset.done @!p0 $0x0  }
0x93: {  	[sflag:s13] =	ssyncadd.s32 @!p0 $0xFFFF3400  }
0x94: {  	v10 =	vld.idx.msk @!p0 [tilespmem:v10+s2+$0x0], $0xffff;
	_ =	sdelay $0x4  }
0x95: {  	v11 =	vtrunc.f32 @!p0 v10  }
0x96: {  	v11 =	vcvt.f32.s32 @!p0 v11;
	_ =	sdelay $0x1  }
0x97: {  	v11 =	vadd.s32 @!p0 v3, v11  }
0x98: {  	v12 =	vshll.u32 @!p0 v11, $0x1  }
0x99: {  	v11 =	vand.u32 @!p0 $0x7F, v11;
	v12 =	vand.u32 @!p0 $0xFFFFFF00, v12  }
0x9a: {  	v11 =	vor.u32 @!p0 v11, v12  }
0x9b: {  	v12 =	vadd.s32 @!p0 s20, v5  }
0x9c: {  	v10 =	vmul.f32 @!p0 $0.0e+00, v10;
	_ =	sdelay $0x1  }
0x9d: {  	[tilespmem:v2+s11+$0x0] =	vst.idx.msk @!p0 $0xffff, v10  }
0x9e: {  	[tilespmem:v11+s11+$0x0] =	vst.idx.msk @!p0 $0xffff, v1  }
0x9f: {  	v10 =	vld.idx.msk @!p0 [tilespmem:v12+s2+$0x0], $0xffff;
	_ =	sdelay $0x4  }
0xa0: {  	v11 =	vtrunc.f32 @!p0 v10  }
0xa1: {  	v11 =	vcvt.f32.s32 @!p0 v11;
	_ =	sdelay $0x1  }
0xa2: {  	v11 =	vadd.s32 @!p0 v7, v11  }
0xa3: {  	v12 =	vshll.u32 @!p0 v11, $0x1  }
0xa4: {  	v11 =	vand.u32 @!p0 $0x7F, v11;
	v12 =	vand.u32 @!p0 $0xFFFFFF00, v12  }
0xa5: {  	s19 =	sadd.s32 @!p0 $0xFFFFFFE6, s19;
	v11 =	vor.u32 @!p0 v11, v12  }
0xa6: {  	v12 =	vadd.s32 @!p0 s19, v0  }
0xa7: {  	v10 =	vmul.f32 @!p0 $0.0e+00, v10;
	_ =	sdelay $0x1  }
0xa8: {  	[tilespmem:v6+s11+$0x0] =	vst.idx.msk @!p0 $0xffff, v10  }
0xa9: {  	[tilespmem:v11+s11+$0x0] =	vst.idx.msk @!p0 $0xffff, v1  }
0xaa: {  	v10 =	vld.idx.msk @!p0 [tilespmem:v12+s2+$0x0], $0xffff;
	_ =	sdelay $0x4  }
0xab: {  	v11 =	vtrunc.f32 @!p0 v10  }
0xac: {  	v11 =	vcvt.f32.s32 @!p0 v11;
	_ =	sdelay $0x1  }
0xad: {  	v11 =	vadd.s32 @!p0 v3, v11  }
0xae: {  	v12 =	vshll.u32 @!p0 v11, $0x1  }
0xaf: {  	v11 =	vand.u32 @!p0 $0x7F, v11;
	v12 =	vand.u32 @!p0 $0xFFFFFF00, v12  }
0xb0: {  	v11 =	vor.u32 @!p0 v12, v11  }
0xb1: {  	v11 =	vor.u32 @!p0 $0x80, v11  }
0xb2: {  	v12 =	vadd.s32 @!p0 s19, v5  }
0xb3: {  	v10 =	vmul.f32 @!p0 $0.0e+00, v10;
	_ =	sdelay $0x1  }
0xb4: {  	[tilespmem:v8+s11+$0x0] =	vst.idx.msk @!p0 $0xffff, v10  }
0xb5: {  	[tilespmem:v11+s11+$0x0] =	vst.idx.msk @!p0 $0xffff, v1  }
0xb6: {  	v10 =	vld.idx.msk @!p0 [tilespmem:v12+s2+$0x0], $0xffff;
	_ =	sdelay $0x4  }
0xb7: {  	v11 =	vtrunc.f32 @!p0 v10  }
0xb8: {  	v11 =	vcvt.f32.s32 @!p0 v11;
	_ =	sdelay $0x1  }
0xb9: {  	v11 =	vadd.s32 @!p0 v7, v11  }
0xba: {  	v12 =	vshll.u32 @!p0 v11, $0x1  }
0xbb: {  	v11 =	vand.u32 @!p0 $0x7F, v11;
	v12 =	vand.u32 @!p0 $0xFFFFFF00, v12  }
0xbc: {  	v10 =	vmul.f32 @!p0 $0.0e+00, v10;
	v11 =	vor.u32 @!p0 v12, v11  }
0xbd: {  	s29 =	sadd.s32 $0x34, s15;
	v11 =	vor.u32 @!p0 $0x80, v11  }
0xbe: {  	[tilespmem:v9+s11+$0x0] =	vst.idx.msk @!p0 $0xffff, v10;
	v10 =	vadd.s32 s29, v0;
	_ =	sdelay $0x3  }
0xbf: {  	[tilespmem:v11+s11+$0x0] =	vst.idx.msk @!p0 $0xffff, v1  }
0xc0: {  	v10 =	vld.idx.msk [tilespmem:v10+s2+$0x0], $0xffff;
	_ =	sdelay $0x4  }
0xc1: {  	v11 =	vtrunc.f32 v10  }
0xc2: {  	v11 =	vcvt.f32.s32 v11;
	_ =	sdelay $0x1  }
0xc3: {  	v11 =	vadd.s32 v3, v11  }
0xc4: {  	v57 =	vshll.u32 v11, $0x1  }
0xc5: {  	v11 =	vand.u32 $0x7F, v11;
	v12 =	vand.u32 $0xFFFFFF00, v57  }
0xc6: {  	v11 =	vor.u32 v11, v12  }
0xc7: {  	v58 =	vadd.s32 s29, v5;
	_ =	sdelay $0x2  }
0xc8: {  	[tilespmem:v2+s11+$0x0] =	vst.idx.msk $0xffff, v10  }
0xc9: {  	[tilespmem:v11+s11+$0x0] =	vst.idx.msk $0xffff, v4  }
0xca: {  	v10 =	vld.idx.msk [tilespmem:v58+s2+$0x0], $0xffff;
	_ =	sdelay $0x4  }
0xcb: {  	v11 =	vtrunc.f32 v10  }
0xcc: {  	v11 =	vcvt.f32.s32 v11;
	_ =	sdelay $0x1  }
0xcd: {  	v11 =	vadd.s32 v7, v11  }
0xce: {  	v59 =	vshll.u32 v11, $0x1  }
0xcf: {  	v11 =	vand.u32 $0x7F, v11;
	v12 =	vand.u32 $0xFFFFFF00, v59  }
0xd0: {  	s30 =	sadd.s32 $0x4E, s15;
	v11 =	vor.u32 v11, v12  }
0xd1: {  	v60 =	vadd.s32 s30, v0;
	_ =	sdelay $0x2  }
0xd2: {  	[tilespmem:v6+s11+$0x0] =	vst.idx.msk $0xffff, v10  }
0xd3: {  	[tilespmem:v11+s11+$0x0] =	vst.idx.msk $0xffff, v4  }
0xd4: {  	v10 =	vld.idx.msk [tilespmem:v60+s2+$0x0], $0xffff;
	_ =	sdelay $0x4  }
0xd5: {  	v11 =	vtrunc.f32 v10  }
0xd6: {  	v11 =	vcvt.f32.s32 v11;
	_ =	sdelay $0x1  }
0xd7: {  	v11 =	vadd.s32 v3, v11  }
0xd8: {  	v61 =	vshll.u32 v11, $0x1  }
0xd9: {  	v11 =	vand.u32 $0x7F, v11;
	v12 =	vand.u32 $0xFFFFFF00, v61  }
0xda: {  	v11 =	vor.u32 v12, v11  }
0xdb: {  	v11 =	vor.u32 $0x80, v11  }
0xdc: {  	v62 =	vadd.s32 s30, v5;
	_ =	sdelay $0x2  }
0xdd: {  	[tilespmem:v8+s11+$0x0] =	vst.idx.msk $0xffff, v10  }
0xde: {  	[tilespmem:v11+s11+$0x0] =	vst.idx.msk $0xffff, v4  }
0xdf: {  	v10 =	vld.idx.msk [tilespmem:v62+s2+$0x0], $0xffff;
	_ =	sdelay $0x4  }
0xe0: {  	v11 =	vtrunc.f32 v10  }
0xe1: {  	v11 =	vcvt.f32.s32 v11;
	_ =	sdelay $0x1  }
0xe2: {  	v11 =	vadd.s32 v7, v11  }
0xe3: {  	v63 =	vshll.u32 v11, $0x1  }
0xe4: {  	v11 =	vand.u32 $0x7F, v11;
	v12 =	vand.u32 $0xFFFFFF00, v63  }
0xe5: {  	v11 =	vor.u32 v12, v11  }
0xe6: {  	s15 =	sadd.s32 $0x68, s15;
	v11 =	vor.u32 $0x80, v11  }
0xe7: {  	s31 =	sadd.s32 $0x100, s17;
	p0 =	sne.s32 s15, $0xD00  }
.Ltmp1:
0xe8: {  	s19 =	sand.u32 $0x300, s31;
	(pc) =	sbr.rel @p0 .LBB2_4-.Ltmp1, $4  }
0xe9: {  	s18 =	sor.u32 s19, s18  }
0xea: {  	s18 =	sshrl.u32 s18, $0x3;
	[tilespmem:v9+s11+$0x0] =	vst.idx.msk $0xffff, v10  }
0xeb: {  	s17 =	sadd.s32 $0x200, s17;
	s16 =	sadd.s32 $0x4, s16;
	s18 =	sadd.s32 s3, s18;
	[tilespmem:v11+s11+$0x0] =	vst.idx.msk $0xffff, v4  }
0xec: {  	[hbm4b:s18+s9] =	stream.strided.scatter [tilespmem:s11], [sflag:$0x2], $0xCC00, s10, s9, $0x38;
	[tilespmem:$0x1A500] =	vst v63  }
0xed: {  	s14 =	sadd.s32 $0x1, s14  }
0xee: {  	_ =	swait.ge [sflag:s12], $0xCC00;
	p0 =	sne.s32 s14, s5  }
.Ltmp2:
0xef: {  	[sflag:s12] =	ssyncset.done $0x0;
	(pc) =	sbr.rel @p0 .LBB2_1-.Ltmp2, $4  }
0xf0: {  	[sflag:s12] =	ssyncadd.s32 $0xFFFF3400  }
0xf1: {  	_ =	swait.ge [sflag:s13], $0xCC00  }
0xf2: {  	[sflag:s13] =	ssyncset.done $0x0  }
0xf3: {  	[sflag:s13] =	ssyncadd.s32 $0xFFFF3400  }
0xf4: {  	_ =	sfence.sel $0x180000  }
0xf5: {  	[bflag:$0x0] =	sbarrier.arrive $0xFFFF  }
0xf6: {  	p0 =	sne.s32 s0, $0x0;
	_ =	strace $0x90000047  }
0xf7: {  	s0 =	sadd.s32 @!p0 $0x100000, s1;
	[bflag:$0x2] =	sbarrier.arrive $0xFFFF  }
0xf8: {  	[sflag:s0] =	ssyncadd.tile.s32 @!p0 $0x1;
	_ =	shalt  }
.Lfunc_end2:
_tile_overlayer_lowered:
.L_overlay_start_2:
0xf9: {  	(tag) =	ssettag $0x2  }
0xfa: {  	s0 =	rddreg [dreg:$0x0];
	s2 =	stileid.u32  }
0xfb: {  	s1 =	rddreg [dreg:$0x1];
	p0 =	sne.s32 s2, $0x0  }
0xfc: {  	s3 =	rddreg [dreg:$0x2];
	[bflag:$0x3] =	sbarrier.arrive $0xFFFF;
	s2 =	simm.s32 @!p0 $0x1C03  }
0xfd: {  	[timem:s3], [sflag:s2] =	dma.local @!p0 [hbm:s0], s1  }
0xfe: {  	s0 =	simm.s32 @!p0 $0x3  }
0xff: {  	_ =	swait.ge @!p0 [sflag:s0], s1  }
0x100: {  	s1 =	ssub.s32 @!p0 $0x0, s1;
	[sflag:s0] =	ssyncset.done @!p0 $0x0  }
0x101: {  	[sflag:s0] =	ssyncadd.s32 @!p0 s1  }
0x102: {  	[bflag:$0x3] =	sbarrier.arrive $0xFFFF  }
0x103: {  	_ =	shalt  }

</sc_bundles>
